<compile_context>
chip_gen: v7x
topology: tpu7x:2x2x1
jax: 0.10.2.dev20260603
libtpu: 0.0.44.dev20260713+nightly
codegen_flags: <defaults>
</compile_context>

<pallas_src>
import functools

import jax
import jax.numpy as jnp
from jax import lax
from jax.experimental import pallas as pl
from jax.experimental.pallas import tpu as pltpu
from jax.experimental.pallas import tpu_sc as plsc

NC, NS, LANES = 2, 16, 16
NW = NC * NS
CH = 128
ZB = 128

N = 10000
NP = 10240
ROWS_PER_SUB = NP // NS
DEG_W = 16
BLK = 1280
W2P = 256

_MESH = plsc.VectorSubcoreMesh(core_axis_name="c", subcore_axis_name="s")
_SC_PARAMS = pltpu.CompilerParams(use_tc_tiling_on_sc=False)


def _zero_vmem(buf, nrows, width):
    lanes = LANES * 2 if buf.dtype == jnp.bfloat16 else LANES
    z = jnp.zeros((lanes,), buf.dtype)

    @pl.loop(0, nrows)
    def _(r):
        @pl.loop(0, width // lanes)
        def _(c):
            buf[r, pl.ds(c * lanes, lanes)] = z


def _make_sc_degree(n_edges_p):
    chunks_per_w = n_edges_p // (NW * CH)

    @functools.partial(
        pl.kernel,
        out_type=jax.ShapeDtypeStruct((NC, NP, DEG_W), jnp.float32),
        mesh=_MESH,
        compiler_params=_SC_PARAMS,
        scratch_types=[
            pltpu.VMEM((CH,), jnp.int32),
            pltpu.VMEM((CH, DEG_W), jnp.float32),
            pltpu.VMEM((ZB, DEG_W), jnp.float32),
            pltpu.VMEM_SHARED((NP, DEG_W), jnp.float32),
        ],
    )
    def sc_degree(dst_hbm, out_hbm, idx_v, ones_v, zbuf, acc):
        cid = lax.axis_index("c")
        sid = lax.axis_index("s")
        wid = cid * NS + sid
        base = wid * chunks_per_w
        one = jnp.full((LANES,), 1.0, jnp.float32)

        @pl.loop(0, CH)
        def _(r):
            ones_v[r, :] = one

        _zero_vmem(zbuf, ZB, DEG_W)

        @pl.loop(0, ROWS_PER_SUB // ZB)
        def _(j):
            pltpu.sync_copy(zbuf, acc.at[pl.ds(sid * ROWS_PER_SUB + j * ZB, ZB)])

        plsc.subcore_barrier()

        @pl.loop(0, chunks_per_w)
        def _(i):
            pltpu.sync_copy(dst_hbm.at[base + i], idx_v)
            pltpu.sync_copy(ones_v, acc.at[idx_v], add=True)

        plsc.subcore_barrier()
        r0 = sid * ROWS_PER_SUB
        pltpu.sync_copy(acc.at[pl.ds(r0, ROWS_PER_SUB)],
                        out_hbm.at[cid, pl.ds(r0, ROWS_PER_SUB)])

    return sc_degree


def _make_sc_scatter(n_edges_p, chunks_c0, dtype):
    total_chunks = n_edges_p // CH
    chunks_c1 = total_chunks // NS - chunks_c0

    @functools.partial(
        pl.kernel,
        out_type=jax.ShapeDtypeStruct((NC, NP, 128), dtype),
        mesh=_MESH,
        compiler_params=_SC_PARAMS,
        scratch_types=[
            pltpu.VMEM((CH,), jnp.int32),
            pltpu.VMEM((CH,), jnp.int32),
            pltpu.VMEM((CH, 128), dtype),
            pltpu.VMEM_SHARED((NP, 128), dtype),
            pltpu.SemaphoreType.DMA,
        ],
    )
    def sc_scatter(y_hbm, src_hbm, dst_hbm, out_hbm, srcv, dstv, rows, acc, sem):
        cid = lax.axis_index("c")
        sid = lax.axis_index("s")
        nch = jnp.where(cid == 0, chunks_c0, chunks_c1)
        base = cid * NS * chunks_c0 + sid * nch

        _zero_vmem(rows, ZB, 128)

        @pl.loop(0, ROWS_PER_SUB // ZB)
        def _(j):
            pltpu.sync_copy(rows.at[pl.ds(0, ZB)],
                            acc.at[pl.ds(sid * ROWS_PER_SUB + j * ZB, ZB)])

        plsc.subcore_barrier()

        @pl.loop(0, nch)
        def _(i):
            pltpu.sync_copy(src_hbm.at[base + i], srcv)
            pltpu.sync_copy(dst_hbm.at[base + i], dstv)
            pltpu.async_copy(y_hbm.at[srcv], rows, sem).wait()
            pltpu.sync_copy(rows, acc.at[dstv], add=True)

        plsc.subcore_barrier()
        r0 = sid * ROWS_PER_SUB
        pltpu.sync_copy(acc.at[pl.ds(r0, ROWS_PER_SUB)],
                        out_hbm.at[cid, pl.ds(r0, ROWS_PER_SUB)])

    return sc_scatter


def _dinv_from(deg_ref):
    deg = deg_ref[0, :, 0] + deg_ref[1, :, 0] + 1.0
    return lax.rsqrt(deg)[:, None]


def _tc_scale(x, deg):
    def body(x_ref, deg_ref, o_ref):
        o_ref[...] = (x_ref[...] * _dinv_from(deg_ref)).astype(jnp.bfloat16)

    return pl.pallas_call(
        body,
        grid=(NP // BLK,),
        in_specs=[
            pl.BlockSpec((BLK, 128), lambda i: (i, 0)),
            pl.BlockSpec((NC, BLK, DEG_W), lambda i: (0, i, 0)),
        ],
        out_specs=pl.BlockSpec((BLK, 128), lambda i: (i, 0)),
        out_shape=jax.ShapeDtypeStruct((NP, 128), jnp.bfloat16),
    )(x, deg)


def _tc_mid(Z1, xs, deg, w1, b1):
    def body(z_ref, x_ref, deg_ref, w_ref, b_ref, o_ref):
        dinv = _dinv_from(deg_ref)
        zsum = (z_ref[0].astype(jnp.float32) + z_ref[1].astype(jnp.float32)
                + x_ref[...].astype(jnp.float32))
        u = dinv * zsum
        h = jnp.dot(u, w_ref[...], preferred_element_type=jnp.float32)
        h = jnp.maximum(h + b_ref[...], 0.0)
        o_ref[...] = (dinv * h).astype(o_ref.dtype)

    return pl.pallas_call(
        body,
        grid=(NP // BLK,),
        in_specs=[
            pl.BlockSpec((NC, BLK, 128), lambda i: (0, i, 0)),
            pl.BlockSpec((BLK, 128), lambda i: (i, 0)),
            pl.BlockSpec((NC, BLK, DEG_W), lambda i: (0, i, 0)),
            pl.BlockSpec((128, 128), lambda i: (0, 0)),
            pl.BlockSpec((1, 128), lambda i: (0, 0)),
        ],
        out_specs=pl.BlockSpec((BLK, 128), lambda i: (i, 0)),
        out_shape=jax.ShapeDtypeStruct((NP, 128), jnp.bfloat16),
    )(Z1, xs, deg, w1, b1)


def _tc_final(Z2, hs, deg, w2p, b2p):
    def body(z_ref, h_ref, deg_ref, w_ref, b_ref, o_ref):
        dinv = _dinv_from(deg_ref)
        u = dinv * (z_ref[0].astype(jnp.float32) + z_ref[1].astype(jnp.float32)
                    + h_ref[...].astype(jnp.float32))
        o = jnp.dot(u, w_ref[...], preferred_element_type=jnp.float32)
        o = o + b_ref[...]
        col = lax.broadcasted_iota(jnp.int32, o.shape, 1)
        o_ref[...] = jnp.where(col >= 128, jnp.exp(o), o)

    return pl.pallas_call(
        body,
        grid=(NP // BLK,),
        in_specs=[
            pl.BlockSpec((NC, BLK, 128), lambda i: (0, i, 0)),
            pl.BlockSpec((BLK, 128), lambda i: (i, 0)),
            pl.BlockSpec((NC, BLK, DEG_W), lambda i: (0, i, 0)),
            pl.BlockSpec((128, W2P), lambda i: (0, 0)),
            pl.BlockSpec((1, W2P), lambda i: (0, 0)),
        ],
        out_specs=pl.BlockSpec((BLK, W2P), lambda i: (i, 0)),
        out_shape=jax.ShapeDtypeStruct((NP, W2P), jnp.float32),
    )(Z2, hs, deg, w2p, b2p)


def kernel(x, edge_index, W1, b1, W2, b2):
    n_edges = edge_index.shape[1]
    chunk = NW * CH
    n_edges_p = ((n_edges + chunk - 1) // chunk) * chunk

    src_p = jnp.pad(edge_index[0], (0, n_edges_p - n_edges),
                    constant_values=N).reshape(n_edges_p // CH, CH)
    dst_p = jnp.pad(edge_index[1], (0, n_edges_p - n_edges),
                    constant_values=N).reshape(n_edges_p // CH, CH)
    xp = jnp.pad(x, ((0, NP - N), (0, 0)))
    w2p = jnp.pad(W2, ((0, 0), (0, W2P - W2.shape[1])))
    b1r = b1.reshape(1, 128)
    b2p = jnp.pad(b2, (0, W2P - b2.shape[0])).reshape(1, W2P)

    sc_degree = _make_sc_degree(n_edges_p)
    sc_scatter_bf16 = _make_sc_scatter(n_edges_p, 100, jnp.bfloat16)

    deg = sc_degree(dst_p)
    xs = _tc_scale(xp, deg)
    Z1 = sc_scatter_bf16(xs, src_p, dst_p)
    hs = _tc_mid(Z1, xs, deg, W1, b1r)
    Z2 = sc_scatter_bf16(hs, src_p, dst_p)
    out = _tc_final(Z2, hs, deg, w2p, b2p)

    pos = out[:N, :128]
    mass = out[:N, 128:129]
    return (pos, mass)

# --- scband reference (transcript-rebuilt; emitter-appended) ---
"""Pipeline reference for scband-gcnmass-79121887527626 (READ-ONLY COPY).

The authoritative reference and input builder live on the scoring server;
editing this copy changes nothing except your own understanding.
"""

import jax, jax.numpy as jnp
import numpy as np

N_NODES = 10000
N_EDGES = 320000
IN_DIM = 128
HIDDEN_DIM = 128
OUT_DIM = 128


def _glorot(key, fan_in, fan_out):
    limit = np.sqrt(6.0 / (fan_in + fan_out))
    return jax.random.uniform(key, (fan_in, fan_out), jnp.float32, -limit, limit)


def setup_inputs(seed: int = 0) -> dict:
    key = jax.random.key(seed)
    k1, k2, k3, k4 = jax.random.split(key, 4)
    x = jax.random.normal(k1, (N_NODES, IN_DIM), dtype=jnp.float32)
    edge_index = jax.random.randint(k2, (2, N_EDGES), 0, N_NODES, dtype=jnp.int32)
    # GCNConv layer 0: in_dim -> hidden_dim
    W1 = _glorot(k3, IN_DIM, HIDDEN_DIM)
    b1 = jnp.zeros((HIDDEN_DIM,), jnp.float32)
    # GCNConv layer 1: hidden_dim -> out_dim + 1 (extra channel for mass)
    W2 = _glorot(k4, HIDDEN_DIM, OUT_DIM + 1)
    b2 = jnp.zeros((OUT_DIM + 1,), jnp.float32)
    return {"x": x, "edge_index": edge_index, "W1": W1, "b1": b1, "W2": W2, "b2": b2}


def _gcn_conv(x, src, dst, W, b, n_nodes):
    # GCNConv with add_self_loops=True and symmetric normalization:
    # out = D^{-1/2} (A + I) D^{-1/2} (x W) + b
    xw = x @ W
    deg = jnp.zeros((n_nodes,), xw.dtype).at[dst].add(1.0) + 1.0  # +1 for self-loop
    dinv = jax.lax.rsqrt(deg)
    norm = dinv[src] * dinv[dst]
    agg = jnp.zeros((n_nodes, xw.shape[1]), xw.dtype).at[dst].add(xw[src] * norm[:, None])
    agg = agg + (dinv * dinv)[:, None] * xw  # self-loop contribution
    return agg + b


def reference(x, edge_index, W1, b1, W2, b2):
    src = edge_index[0]
    dst = edge_index[1]
    # layer 0
    h = _gcn_conv(x, src, dst, W1, b1, N_NODES)
    h = jax.nn.relu(h)  # dropout is identity in eval mode
    # layer 1 (last): no relu/dropout
    h = _gcn_conv(h, src, dst, W2, b2, N_NODES)
    pos = h[:, :OUT_DIM]
    mass = jnp.exp(h[:, OUT_DIM:])
    return (pos, mass)

if __name__ == "__main__":
    import jax
    _d = setup_inputs()
    print(jax.jit(kernel)(*tuple(_d.values())))

</pallas_src>

<mosaic_0001>
#map = affine_map<(d0, d1) -> (0, 0)>
#map1 = affine_map<(d0, d1) -> (0, 0, 0)>
module attributes {stable_mosaic.version = 14 : i64} {
  func.func @sc_degree(%arg0: i32, %arg1: i32, %arg2: memref<2528x128xi32, #tpu.memory_space<hbm>>, %arg3: memref<2x10240x16xf32, #tpu.memory_space<hbm>>, %arg4: memref<128xi32, #tpu.memory_space<vmem>>, %arg5: memref<128x16xf32, #tpu.memory_space<vmem>>, %arg6: memref<128x16xf32, #tpu.memory_space<vmem>>, %arg7: memref<10240x16xf32, #tpu.memory_space<vmem_shared>>) attributes {dimension_semantics = [#tpu.dimension_semantics<core_parallel>, #tpu.dimension_semantics<subcore_parallel>], iteration_bounds = array<i64: 2, 16>, scalar_prefetch = 0 : i64, scratch_operands = 4 : i64, tpu.core_type = #tpu.core_type<sc_vector_subcore>, window_params = [{transform_indices = #map}, {transform_indices = #map1}]} {
    %mul3A = arith.constant 16 : i32
    %mul3A_0 = arith.muli %arg0, %mul3A : i32
    %add3A = arith.addi %mul3A_0, %arg1 : i32
    %mul3A_1 = arith.constant 79 : i32
    %mul3A_2 = arith.muli %add3A, %mul3A_1 : i32
    %broadcast_in_dim3A = arith.constant 1.000000e+00 : f32
    %broadcast_in_dim3A_3 = vector.broadcast %broadcast_in_dim3A : f32 to vector<16xf32>
    %scan3A = arith.constant 0 : i32
    %scan3A_4 = arith.constant 128 : i32
    %scan3A_5 = arith.addi %scan3A, %scan3A_4 : i32
    %scan3A_6 = arith.constant 1 : i32
    scf.for %scan3A_28 = %scan3A to %scan3A_5 step %scan3A_6  : i32 {
      %mul3A_29 = arith.constant 1 : i32
      %mul3A_30 = arith.muli %scan3A_28, %mul3A_29 : i32
      %add3A_31 = arith.constant 0 : i32
      %add3A_32 = arith.addi %add3A_31, %mul3A_30 : i32
      %swap3A = arith.index_cast %add3A_32 : i32 to index
      %swap3A_33 = arith.constant 0 : index
      %swap3A_34 = tpu.vector_load %arg5[%swap3A, %swap3A_33] {strides = array<i32>} : memref<128x16xf32, #tpu.memory_space<vmem>>, vector<1x16xf32>,
      %swap3A_35 = vector.shape_cast %swap3A_34 : vector<1x16xf32> to vector<16xf32>
      %swap3A_36 = vector.shape_cast %broadcast_in_dim3A_3 : vector<16xf32> to vector<1x16xf32>
      tpu.vector_store %arg5[%swap3A, %swap3A_33], %swap3A_36 {strides = array<i32>} : memref<128x16xf32, #tpu.memory_space<vmem>>, vector<1x16xf32>,
    }
    %scan3A_7 = arith.constant 128 : i32
    %broadcast_in_dim3A_8 = arith.constant 0.000000e+00 : f32
    %broadcast_in_dim3A_9 = vector.broadcast %broadcast_in_dim3A_8 : f32 to vector<16xf32>
    %scan3A_10 = arith.constant 0 : i32
    %scan3A_11 = arith.constant 128 : i32
    %scan3A_12 = arith.addi %scan3A_10, %scan3A_11 : i32
    %scan3A_13 = arith.constant 1 : i32
    scf.for %scan3A_28 = %scan3A_10 to %scan3A_12 step %scan3A_13  : i32 {
      %mul3A_29 = arith.constant 1 : i32
      %mul3A_30 = arith.muli %scan3A_28, %mul3A_29 : i32
      %add3A_31 = arith.constant 0 : i32
      %add3A_32 = arith.addi %add3A_31, %mul3A_30 : i32
      %scan3A_33 = arith.constant 0 : i32
      %mul3A_34 = arith.constant 1 : i32
      %mul3A_35 = arith.muli %scan3A_33, %mul3A_34 : i32
      %add3A_36 = arith.constant 0 : i32
      %add3A_37 = arith.addi %add3A_36, %mul3A_35 : i32
      %mul3A_38 = arith.constant 16 : i32
      %mul3A_39 = arith.muli %add3A_37, %mul3A_38 : i32
      %swap3A = arith.index_cast %add3A_32 : i32 to index
      %swap3A_40 = arith.index_cast %mul3A_39 : i32 to index
      %swap3A_41 = tpu.vector_load %arg6[%swap3A, %swap3A_40] {strides = array<i32>} : memref<128x16xf32, #tpu.memory_space<vmem>>, vector<1x16xf32>,
      %swap3A_42 = vector.shape_cast %swap3A_41 : vector<1x16xf32> to vector<16xf32>
      %swap3A_43 = vector.shape_cast %broadcast_in_dim3A_9 : vector<16xf32> to vector<1x16xf32>
      tpu.vector_store %arg6[%swap3A, %swap3A_40], %swap3A_43 {strides = array<i32>} : memref<128x16xf32, #tpu.memory_space<vmem>>, vector<1x16xf32>,
      %scan3A_44 = arith.constant 1 : i32
    }
    %scan3A_14 = arith.constant 128 : i32
    %scan3A_15 = arith.constant 0 : i32
    %scan3A_16 = arith.constant 5 : i32
    %scan3A_17 = arith.addi %scan3A_15, %scan3A_16 : i32
    %scan3A_18 = arith.constant 1 : i32
    scf.for %scan3A_28 = %scan3A_15 to %scan3A_17 step %scan3A_18  : i32 {
      %mul3A_29 = arith.constant 1 : i32
      %mul3A_30 = arith.muli %scan3A_28, %mul3A_29 : i32
      %add3A_31 = arith.constant 0 : i32
      %add3A_32 = arith.addi %add3A_31, %mul3A_30 : i32
      %mul3A_33 = arith.constant 640 : i32
      %mul3A_34 = arith.muli %arg1, %mul3A_33 : i32
      %mul3A_35 = arith.constant 128 : i32
      %mul3A_36 = arith.muli %add3A_32, %mul3A_35 : i32
      %add3A_37 = arith.addi %mul3A_34, %mul3A_36 : i32
      "tpu.region"() ({
        %run_scoped3A = tpu.sem_alloc : memref<!tpu.dma_semaphore, #tpu.memory_space<semaphore_mem>>
        %dma_start3A = arith.constant 0 : i32
        %dma_start3A_38 = tpu.memref_slice %arg7[%add3A_37, %dma_start3A] : memref<10240x16xf32, #tpu.memory_space<vmem_shared>> -> memref<128x16xf32, #tpu.memory_space<vmem_shared>>
        %dma_start3A_39 = arith.constant 0 : i32
        %dma_start3A_40 = tpu.memref_slice %arg7[%add3A_37, %dma_start3A_39] : memref<10240x16xf32, #tpu.memory_space<vmem_shared>> -> memref<128x16xf32, #tpu.memory_space<vmem_shared>>
        tpu.enqueue_dma source(%arg6 : memref<128x16xf32, #tpu.memory_space<vmem>>) target(%dma_start3A_40 : memref<128x16xf32, #tpu.memory_space<vmem_shared>>) target_semaphore(%run_scoped3A : memref<!tpu.dma_semaphore, #tpu.memory_space<semaphore_mem>>)
        %dma_wait3A = arith.constant 0 : i32
        %dma_wait3A_41 = tpu.memref_slice %arg7[%add3A_37, %dma_wait3A] : memref<10240x16xf32, #tpu.memory_space<vmem_shared>> -> memref<128x16xf32, #tpu.memory_space<vmem_shared>>
        %dma_wait3A_42 = arith.constant 0 : i32
        %dma_wait3A_43 = tpu.memref_slice %arg7[%add3A_37, %dma_wait3A_42] : memref<10240x16xf32, #tpu.memory_space<vmem_shared>> -> memref<128x16xf32, #tpu.memory_space<vmem_shared>>
        tpu.wait_dma2 semaphore(%run_scoped3A : memref<!tpu.dma_semaphore, #tpu.memory_space<semaphore_mem>>) src(%arg6 : memref<128x16xf32, #tpu.memory_space<vmem>>) dst(%dma_wait3A_43 : memref<128x16xf32, #tpu.memory_space<vmem_shared>>)
        tpu.yield
      }) : () -> ()
    }
    %scan3A_19 = arith.constant 5 : i32
    %barrier3A = arith.constant 0 : index
    tpu.barrier barrier_id(%barrier3A)
    %scan3A_20 = arith.constant 0 : i32
    %scan3A_21 = arith.constant 79 : i32
    %scan3A_22 = arith.addi %scan3A_20, %scan3A_21 : i32
    %scan3A_23 = arith.constant 1 : i32
    scf.for %scan3A_28 = %scan3A_20 to %scan3A_22 step %scan3A_23  : i32 {
      %mul3A_29 = arith.constant 1 : i32
      %mul3A_30 = arith.muli %scan3A_28, %mul3A_29 : i32
      %add3A_31 = arith.constant 0 : i32
      %add3A_32 = arith.addi %add3A_31, %mul3A_30 : i32
      %add3A_33 = arith.addi %mul3A_2, %add3A_32 : i32
      "tpu.region"() ({
        %run_scoped3A = tpu.sem_alloc : memref<!tpu.dma_semaphore, #tpu.memory_space<semaphore_mem>>
        %dma_start3A = arith.constant 0 : i32
        %dma_start3A_34 = tpu.memref_slice %arg2[%add3A_33, %dma_start3A] : memref<2528x128xi32, #tpu.memory_space<hbm>> -> memref<1x128xi32, #tpu.memory_space<hbm>>
        %dma_start3A_35 = tpu.memref_squeeze %dma_start3A_34 : memref<1x128xi32, #tpu.memory_space<hbm>> -> memref<128xi32, #tpu.memory_space<hbm>>
        %dma_start3A_36 = arith.constant 0 : i32
        %dma_start3A_37 = tpu.memref_slice %arg2[%add3A_33, %dma_start3A_36] : memref<2528x128xi32, #tpu.memory_space<hbm>> -> memref<1x128xi32, #tpu.memory_space<hbm>>
        %dma_start3A_38 = tpu.memref_squeeze %dma_start3A_37 : memref<1x128xi32, #tpu.memory_space<hbm>> -> memref<128xi32, #tpu.memory_space<hbm>>
        tpu.enqueue_dma source(%dma_start3A_38 : memref<128xi32, #tpu.memory_space<hbm>>) target(%arg4 : memref<128xi32, #tpu.memory_space<vmem>>) target_semaphore(%run_scoped3A : memref<!tpu.dma_semaphore, #tpu.memory_space<semaphore_mem>>)
        %dma_wait3A = arith.constant 0 : i32
        %dma_wait3A_39 = tpu.memref_slice %arg2[%add3A_33, %dma_wait3A] : memref<2528x128xi32, #tpu.memory_space<hbm>> -> memref<1x128xi32, #tpu.memory_space<hbm>>
        %dma_wait3A_40 = tpu.memref_squeeze %dma_wait3A_39 : memref<1x128xi32, #tpu.memory_space<hbm>> -> memref<128xi32, #tpu.memory_space<hbm>>
        %dma_wait3A_41 = arith.constant 0 : i32
        %dma_wait3A_42 = tpu.memref_slice %arg2[%add3A_33, %dma_wait3A_41] : memref<2528x128xi32, #tpu.memory_space<hbm>> -> memref<1x128xi32, #tpu.memory_space<hbm>>
        %dma_wait3A_43 = tpu.memref_squeeze %dma_wait3A_42 : memref<1x128xi32, #tpu.memory_space<hbm>> -> memref<128xi32, #tpu.memory_space<hbm>>
        tpu.wait_dma2 semaphore(%run_scoped3A : memref<!tpu.dma_semaphore, #tpu.memory_space<semaphore_mem>>) src(%dma_wait3A_43 : memref<128xi32, #tpu.memory_space<hbm>>) dst(%arg4 : memref<128xi32, #tpu.memory_space<vmem>>)
        tpu.yield
      }) : () -> ()
      "tpu.region"() ({
        %run_scoped3A = tpu.sem_alloc : memref<!tpu.dma_semaphore, #tpu.memory_space<semaphore_mem>>
        %dma_start3A = arith.constant 0 : i32
        %dma_start3A_34 = arith.constant 0 : i32
        %dma_start3A_35 = tpu.memref_slice %arg7[%dma_start3A, %dma_start3A_34] : memref<10240x16xf32, #tpu.memory_space<vmem_shared>> -> memref<10240x16xf32, #tpu.memory_space<vmem_shared>>
        tpu.enqueue_indirect_dma source(%arg5 : memref<128x16xf32, #tpu.memory_space<vmem>>) target(%dma_start3A_35 : memref<10240x16xf32, #tpu.memory_space<vmem_shared>>) offsets(%arg4 : memref<128xi32, #tpu.memory_space<vmem>>) semaphore(%run_scoped3A : memref<!tpu.dma_semaphore, #tpu.memory_space<semaphore_mem>>) {add = true}
        %dma_wait3A = arith.constant 0 : i32
        %dma_wait3A_36 = arith.constant 0 : i32
        %dma_wait3A_37 = tpu.memref_slice %arg7[%dma_wait3A, %dma_wait3A_36] : memref<10240x16xf32, #tpu.memory_space<vmem_shared>> -> memref<10240x16xf32, #tpu.memory_space<vmem_shared>>
        tpu.wait_indirect_dma semaphore(%run_scoped3A : memref<!tpu.dma_semaphore, #tpu.memory_space<semaphore_mem>>) src(%arg5 : memref<128x16xf32, #tpu.memory_space<vmem>>) dst(%dma_wait3A_37 : memref<10240x16xf32, #tpu.memory_space<vmem_shared>>)
        tpu.yield
      }) : () -> ()
    }
    %scan3A_24 = arith.constant 79 : i32
    %barrier3A_25 = arith.constant 0 : index
    tpu.barrier barrier_id(%barrier3A_25)
    %mul3A_26 = arith.constant 640 : i32
    %mul3A_27 = arith.muli %arg1, %mul3A_26 : i32
    "tpu.region"() ({
      %run_scoped3A = tpu.sem_alloc : memref<!tpu.dma_semaphore, #tpu.memory_space<semaphore_mem>>
      %dma_start3A = arith.constant 0 : i32
      %dma_start3A_28 = tpu.memref_slice %arg3[%arg0, %mul3A_27, %dma_start3A] : memref<2x10240x16xf32, #tpu.memory_space<hbm>> -> memref<1x640x16xf32, #tpu.memory_space<hbm>>
      %dma_start3A_29 = tpu.memref_squeeze %dma_start3A_28 : memref<1x640x16xf32, #tpu.memory_space<hbm>> -> memref<640x16xf32, #tpu.memory_space<hbm>>
      %dma_start3A_30 = arith.constant 0 : i32
      %dma_start3A_31 = tpu.memref_slice %arg7[%mul3A_27, %dma_start3A_30] : memref<10240x16xf32, #tpu.memory_space<vmem_shared>> -> memref<640x16xf32, #tpu.memory_space<vmem_shared>>
      tpu.enqueue_dma source(%dma_start3A_31 : memref<640x16xf32, #tpu.memory_space<vmem_shared>>) target(%dma_start3A_29 : memref<640x16xf32, #tpu.memory_space<hbm>>) target_semaphore(%run_scoped3A : memref<!tpu.dma_semaphore, #tpu.memory_space<semaphore_mem>>)
      %dma_wait3A = arith.constant 0 : i32
      %dma_wait3A_32 = tpu.memref_slice %arg3[%arg0, %mul3A_27, %dma_wait3A] : memref<2x10240x16xf32, #tpu.memory_space<hbm>> -> memref<1x640x16xf32, #tpu.memory_space<hbm>>
      %dma_wait3A_33 = tpu.memref_squeeze %dma_wait3A_32 : memref<1x640x16xf32, #tpu.memory_space<hbm>> -> memref<640x16xf32, #tpu.memory_space<hbm>>
      %dma_wait3A_34 = arith.constant 0 : i32
      %dma_wait3A_35 = tpu.memref_slice %arg7[%mul3A_27, %dma_wait3A_34] : memref<10240x16xf32, #tpu.memory_space<vmem_shared>> -> memref<640x16xf32, #tpu.memory_space<vmem_shared>>
      tpu.wait_dma2 semaphore(%run_scoped3A : memref<!tpu.dma_semaphore, #tpu.memory_space<semaphore_mem>>) src(%dma_wait3A_35 : memref<640x16xf32, #tpu.memory_space<vmem_shared>>) dst(%dma_wait3A_33 : memref<640x16xf32, #tpu.memory_space<hbm>>)
      tpu.yield
    }) : () -> ()
    return
  }
}

#map = affine_map<(d0, d1) -> (0, 0)>
#map1 = affine_map<(d0, d1) -> (0, 0, 0)>
module attributes {stable_mosaic.version = 14 : i64} {
  func.func @sc_scatter(%arg0: i32, %arg1: i32, %arg2: memref<10240x128xbf16, #tpu.memory_space<hbm>>, %arg3: memref<2528x128xi32, #tpu.memory_space<hbm>>, %arg4: memref<2528x128xi32, #tpu.memory_space<hbm>>, %arg5: memref<2x10240x128xbf16, #tpu.memory_space<hbm>>, %arg6: memref<128xi32, #tpu.memory_space<vmem>>, %arg7: memref<128xi32, #tpu.memory_space<vmem>>, %arg8: memref<128x128xbf16, #tpu.memory_space<vmem>>, %arg9: memref<10240x128xbf16, #tpu.memory_space<vmem_shared>>, %arg10: memref<!tpu.dma_semaphore, #tpu.memory_space<semaphore_mem>>) attributes {dimension_semantics = [#tpu.dimension_semantics<core_parallel>, #tpu.dimension_semantics<subcore_parallel>], iteration_bounds = array<i64: 2, 16>, scalar_prefetch = 0 : i64, scratch_operands = 5 : i64, tpu.core_type = #tpu.core_type<sc_vector_subcore>, window_params = [{transform_indices = #map}, {transform_indices = #map}, {transform_indices = #map}, {transform_indices = #map1}]} {
    %eq3A = arith.constant 0 : i32
    %eq3A_0 = arith.cmpi eq, %arg0, %eq3A : i32
    %jit3A = arith.constant 100 : i32
    %jit3A_1 = arith.constant 58 : i32
    %select_n3A = arith.select %eq3A_0, %jit3A, %jit3A_1 : i32
    %mul3A = arith.constant 16 : i32
    %mul3A_2 = arith.muli %arg0, %mul3A : i32
    %mul3A_3 = arith.constant 100 : i32
    %mul3A_4 = arith.muli %mul3A_2, %mul3A_3 : i32
    %mul3A_5 = arith.muli %arg1, %select_n3A : i32
    %add3A = arith.addi %mul3A_4, %mul3A_5 : i32
    %broadcast_in_dim3A = arith.constant 0.000000e+00 : bf16
    %broadcast_in_dim3A_6 = vector.broadcast %broadcast_in_dim3A : bf16 to vector<32xbf16>
    %scan3A = arith.constant 0 : i32
    %scan3A_7 = arith.constant 128 : i32
    %scan3A_8 = arith.addi %scan3A, %scan3A_7 : i32
    %scan3A_9 = arith.constant 1 : i32
    scf.for %scan3A_35 = %scan3A to %scan3A_8 step %scan3A_9  : i32 {
      %mul3A_36 = arith.constant 1 : i32
      %mul3A_37 = arith.muli %scan3A_35, %mul3A_36 : i32
      %add3A_38 = arith.constant 0 : i32
      %add3A_39 = arith.addi %add3A_38, %mul3A_37 : i32
      %scan3A_40 = arith.constant 0 : i32
      %scan3A_41 = arith.constant 4 : i32
      %scan3A_42 = arith.addi %scan3A_40, %scan3A_41 : i32
      %scan3A_43 = arith.constant 1 : i32
      scf.for %scan3A_45 = %scan3A_40 to %scan3A_42 step %scan3A_43  : i32 {
        %mul3A_46 = arith.constant 1 : i32
        %mul3A_47 = arith.muli %scan3A_45, %mul3A_46 : i32
        %add3A_48 = arith.constant 0 : i32
        %add3A_49 = arith.addi %add3A_48, %mul3A_47 : i32
        %mul3A_50 = arith.constant 32 : i32
        %mul3A_51 = arith.muli %add3A_49, %mul3A_50 : i32
        %swap3A = arith.index_cast %add3A_39 : i32 to index
        %swap3A_52 = arith.index_cast %mul3A_51 : i32 to index
        %swap3A_53 = tpu.vector_load %arg8[%swap3A, %swap3A_52] {strides = array<i32>} : memref<128x128xbf16, #tpu.memory_space<vmem>>, vector<1x32xbf16>,
        %swap3A_54 = vector.shape_cast %swap3A_53 : vector<1x32xbf16> to vector<32xbf16>
        %swap3A_55 = vector.shape_cast %broadcast_in_dim3A_6 : vector<32xbf16> to vector<1x32xbf16>
        tpu.vector_store %arg8[%swap3A, %swap3A_52], %swap3A_55 {strides = array<i32>} : memref<128x128xbf16, #tpu.memory_space<vmem>>, vector<1x32xbf16>,
      }
      %scan3A_44 = arith.constant 4 : i32
    }
    %scan3A_10 = arith.constant 128 : i32
    %scan3A_11 = arith.constant 0 : i32
    %scan3A_12 = arith.constant 5 : i32
    %scan3A_13 = arith.addi %scan3A_11, %scan3A_12 : i32
    %scan3A_14 = arith.constant 1 : i32
    scf.for %scan3A_35 = %scan3A_11 to %scan3A_13 step %scan3A_14  : i32 {
      %mul3A_36 = arith.constant 1 : i32
      %mul3A_37 = arith.muli %scan3A_35, %mul3A_36 : i32
      %add3A_38 = arith.constant 0 : i32
      %add3A_39 = arith.addi %add3A_38, %mul3A_37 : i32
      %mul3A_40 = arith.constant 640 : i32
      %mul3A_41 = arith.muli %arg1, %mul3A_40 : i32
      %mul3A_42 = arith.constant 128 : i32
      %mul3A_43 = arith.muli %add3A_39, %mul3A_42 : i32
      %add3A_44 = arith.addi %mul3A_41, %mul3A_43 : i32
      "tpu.region"() ({
        %run_scoped3A = tpu.sem_alloc : memref<!tpu.dma_semaphore, #tpu.memory_space<semaphore_mem>>
        %dma_start3A = arith.constant 0 : i32
        %dma_start3A_45 = arith.constant 0 : i32
        %dma_start3A_46 = tpu.memref_slice %arg8[%dma_start3A, %dma_start3A_45] : memref<128x128xbf16, #tpu.memory_space<vmem>> -> memref<128x128xbf16, #tpu.memory_space<vmem>>
        %dma_start3A_47 = arith.constant 0 : i32
        %dma_start3A_48 = tpu.memref_slice %arg9[%add3A_44, %dma_start3A_47] : memref<10240x128xbf16, #tpu.memory_space<vmem_shared>> -> memref<128x128xbf16, #tpu.memory_space<vmem_shared>>
        %dma_start3A_49 = arith.constant 0 : i32
        %dma_start3A_50 = tpu.memref_slice %arg9[%add3A_44, %dma_start3A_49] : memref<10240x128xbf16, #tpu.memory_space<vmem_shared>> -> memref<128x128xbf16, #tpu.memory_space<vmem_shared>>
        %dma_start3A_51 = arith.constant 0 : i32
        %dma_start3A_52 = arith.constant 0 : i32
        %dma_start3A_53 = tpu.memref_slice %arg8[%dma_start3A_51, %dma_start3A_52] : memref<128x128xbf16, #tpu.memory_space<vmem>> -> memref<128x128xbf16, #tpu.memory_space<vmem>>
        tpu.enqueue_dma source(%dma_start3A_53 : memref<128x128xbf16, #tpu.memory_space<vmem>>) target(%dma_start3A_50 : memref<128x128xbf16, #tpu.memory_space<vmem_shared>>) target_semaphore(%run_scoped3A : memref<!tpu.dma_semaphore, #tpu.memory_space<semaphore_mem>>)
        %dma_wait3A = arith.constant 0 : i32
        %dma_wait3A_54 = arith.constant 0 : i32
        %dma_wait3A_55 = tpu.memref_slice %arg8[%dma_wait3A, %dma_wait3A_54] : memref<128x128xbf16, #tpu.memory_space<vmem>> -> memref<128x128xbf16, #tpu.memory_space<vmem>>
        %dma_wait3A_56 = arith.constant 0 : i32
        %dma_wait3A_57 = tpu.memref_slice %arg9[%add3A_44, %dma_wait3A_56] : memref<10240x128xbf16, #tpu.memory_space<vmem_shared>> -> memref<128x128xbf16, #tpu.memory_space<vmem_shared>>
        %dma_wait3A_58 = arith.constant 0 : i32
        %dma_wait3A_59 = tpu.memref_slice %arg9[%add3A_44, %dma_wait3A_58] : memref<10240x128xbf16, #tpu.memory_space<vmem_shared>> -> memref<128x128xbf16, #tpu.memory_space<vmem_shared>>
        %dma_wait3A_60 = arith.constant 0 : i32
        %dma_wait3A_61 = arith.constant 0 : i32
        %dma_wait3A_62 = tpu.memref_slice %arg8[%dma_wait3A_60, %dma_wait3A_61] : memref<128x128xbf16, #tpu.memory_space<vmem>> -> memref<128x128xbf16, #tpu.memory_space<vmem>>
        tpu.wait_dma2 semaphore(%run_scoped3A : memref<!tpu.dma_semaphore, #tpu.memory_space<semaphore_mem>>) src(%dma_wait3A_62 : memref<128x128xbf16, #tpu.memory_space<vmem>>) dst(%dma_wait3A_59 : memref<128x128xbf16, #tpu.memory_space<vmem_shared>>)
        tpu.yield
      }) : () -> ()
    }
    %scan3A_15 = arith.constant 5 : i32
    %barrier3A = arith.constant 0 : index
    tpu.barrier barrier_id(%barrier3A)
    %sub3A = arith.constant 0 : i32
    %sub3A_16 = arith.subi %select_n3A, %sub3A : i32
    %sub3A_17 = arith.constant 1 : i32
    %sub3A_18 = arith.constant 1 : i32
    %sub3A_19 = arith.subi %sub3A_17, %sub3A_18 : i32
    %add3A_20 = arith.addi %sub3A_16, %sub3A_19 : i32
    %div3A = arith.constant 1 : i32
    %div3A_21 = arith.divsi %add3A_20, %div3A : i32
    %while3A = arith.constant 1 : i32
    %while3A_22 = arith.constant 0 : i32
    %while3A_23 = arith.constant 0 : i32
    %while3A_24 = arith.subi %div3A_21, %while3A_23 : i32
    %while3A_25 = arith.addi %while3A_23, %while3A_24 : i32
    %while3A_26 = arith.constant 1 : i32
    %while3A_27 = arith.divsi %while3A_24, %while3A_26 : i32
    %while3A_28 = arith.muli %while3A_27, %while3A_26 : i32
    %while3A_29 = arith.addi %while3A_23, %while3A_28 : i32
    %while3A_30 = arith.constant 1 : i32
    scf.for %while3A_35 = %while3A_23 to %while3A_29 step %while3A_30  : i32 {
      %mul3A_36 = arith.muli %while3A_35, %while3A : i32
      %add3A_37 = arith.addi %while3A_22, %mul3A_36 : i32
      %add3A_38 = arith.addi %add3A, %add3A_37 : i32
      "tpu.region"() ({
        %run_scoped3A = tpu.sem_alloc : memref<!tpu.dma_semaphore, #tpu.memory_space<semaphore_mem>>
        %dma_start3A_44 = arith.constant 0 : i32
        %dma_start3A_45 = tpu.memref_slice %arg3[%add3A_38, %dma_start3A_44] : memref<2528x128xi32, #tpu.memory_space<hbm>> -> memref<1x128xi32, #tpu.memory_space<hbm>>
        %dma_start3A_46 = tpu.memref_squeeze %dma_start3A_45 : memref<1x128xi32, #tpu.memory_space<hbm>> -> memref<128xi32, #tpu.memory_space<hbm>>
        %dma_start3A_47 = arith.constant 0 : i32
        %dma_start3A_48 = tpu.memref_slice %arg3[%add3A_38, %dma_start3A_47] : memref<2528x128xi32, #tpu.memory_space<hbm>> -> memref<1x128xi32, #tpu.memory_space<hbm>>
        %dma_start3A_49 = tpu.memref_squeeze %dma_start3A_48 : memref<1x128xi32, #tpu.memory_space<hbm>> -> memref<128xi32, #tpu.memory_space<hbm>>
        tpu.enqueue_dma source(%dma_start3A_49 : memref<128xi32, #tpu.memory_space<hbm>>) target(%arg6 : memref<128xi32, #tpu.memory_space<vmem>>) target_semaphore(%run_scoped3A : memref<!tpu.dma_semaphore, #tpu.memory_space<semaphore_mem>>)
        %dma_wait3A_50 = arith.constant 0 : i32
        %dma_wait3A_51 = tpu.memref_slice %arg3[%add3A_38, %dma_wait3A_50] : memref<2528x128xi32, #tpu.memory_space<hbm>> -> memref<1x128xi32, #tpu.memory_space<hbm>>
        %dma_wait3A_52 = tpu.memref_squeeze %dma_wait3A_51 : memref<1x128xi32, #tpu.memory_space<hbm>> -> memref<128xi32, #tpu.memory_space<hbm>>
        %dma_wait3A_53 = arith.constant 0 : i32
        %dma_wait3A_54 = tpu.memref_slice %arg3[%add3A_38, %dma_wait3A_53] : memref<2528x128xi32, #tpu.memory_space<hbm>> -> memref<1x128xi32, #tpu.memory_space<hbm>>
        %dma_wait3A_55 = tpu.memref_squeeze %dma_wait3A_54 : memref<1x128xi32, #tpu.memory_space<hbm>> -> memref<128xi32, #tpu.memory_space<hbm>>
        tpu.wait_dma2 semaphore(%run_scoped3A : memref<!tpu.dma_semaphore, #tpu.memory_space<semaphore_mem>>) src(%dma_wait3A_55 : memref<128xi32, #tpu.memory_space<hbm>>) dst(%arg6 : memref<128xi32, #tpu.memory_space<vmem>>)
        tpu.yield
      }) : () -> ()
      %add3A_39 = arith.addi %add3A, %add3A_37 : i32
      "tpu.region"() ({
        %run_scoped3A = tpu.sem_alloc : memref<!tpu.dma_semaphore, #tpu.memory_space<semaphore_mem>>
        %dma_start3A_44 = arith.constant 0 : i32
        %dma_start3A_45 = tpu.memref_slice %arg4[%add3A_39, %dma_start3A_44] : memref<2528x128xi32, #tpu.memory_space<hbm>> -> memref<1x128xi32, #tpu.memory_space<hbm>>
        %dma_start3A_46 = tpu.memref_squeeze %dma_start3A_45 : memref<1x128xi32, #tpu.memory_space<hbm>> -> memref<128xi32, #tpu.memory_space<hbm>>
        %dma_start3A_47 = arith.constant 0 : i32
        %dma_start3A_48 = tpu.memref_slice %arg4[%add3A_39, %dma_start3A_47] : memref<2528x128xi32, #tpu.memory_space<hbm>> -> memref<1x128xi32, #tpu.memory_space<hbm>>
        %dma_start3A_49 = tpu.memref_squeeze %dma_start3A_48 : memref<1x128xi32, #tpu.memory_space<hbm>> -> memref<128xi32, #tpu.memory_space<hbm>>
        tpu.enqueue_dma source(%dma_start3A_49 : memref<128xi32, #tpu.memory_space<hbm>>) target(%arg7 : memref<128xi32, #tpu.memory_space<vmem>>) target_semaphore(%run_scoped3A : memref<!tpu.dma_semaphore, #tpu.memory_space<semaphore_mem>>)
        %dma_wait3A_50 = arith.constant 0 : i32
        %dma_wait3A_51 = tpu.memref_slice %arg4[%add3A_39, %dma_wait3A_50] : memref<2528x128xi32, #tpu.memory_space<hbm>> -> memref<1x128xi32, #tpu.memory_space<hbm>>
        %dma_wait3A_52 = tpu.memref_squeeze %dma_wait3A_51 : memref<1x128xi32, #tpu.memory_space<hbm>> -> memref<128xi32, #tpu.memory_space<hbm>>
        %dma_wait3A_53 = arith.constant 0 : i32
        %dma_wait3A_54 = tpu.memref_slice %arg4[%add3A_39, %dma_wait3A_53] : memref<2528x128xi32, #tpu.memory_space<hbm>> -> memref<1x128xi32, #tpu.memory_space<hbm>>
        %dma_wait3A_55 = tpu.memref_squeeze %dma_wait3A_54 : memref<1x128xi32, #tpu.memory_space<hbm>> -> memref<128xi32, #tpu.memory_space<hbm>>
        tpu.wait_dma2 semaphore(%run_scoped3A : memref<!tpu.dma_semaphore, #tpu.memory_space<semaphore_mem>>) src(%dma_wait3A_55 : memref<128xi32, #tpu.memory_space<hbm>>) dst(%arg7 : memref<128xi32, #tpu.memory_space<vmem>>)
        tpu.yield
      }) : () -> ()
      %dma_start3A = arith.constant 0 : i32
      %dma_start3A_40 = arith.constant 0 : i32
      %dma_start3A_41 = tpu.memref_slice %arg2[%dma_start3A, %dma_start3A_40] : memref<10240x128xbf16, #tpu.memory_space<hbm>> -> memref<10240x128xbf16, #tpu.memory_space<hbm>>
      tpu.enqueue_indirect_dma source(%dma_start3A_41 : memref<10240x128xbf16, #tpu.memory_space<hbm>>) target(%arg8 : memref<128x128xbf16, #tpu.memory_space<vmem>>) offsets(%arg6 : memref<128xi32, #tpu.memory_space<vmem>>) semaphore(%arg10 : memref<!tpu.dma_semaphore, #tpu.memory_space<semaphore_mem>>)
      %dma_wait3A = arith.constant 0 : i32
      %dma_wait3A_42 = arith.constant 0 : i32
      %dma_wait3A_43 = tpu.memref_slice %arg2[%dma_wait3A, %dma_wait3A_42] : memref<10240x128xbf16, #tpu.memory_space<hbm>> -> memref<10240x128xbf16, #tpu.memory_space<hbm>>
      tpu.wait_indirect_dma semaphore(%arg10 : memref<!tpu.dma_semaphore, #tpu.memory_space<semaphore_mem>>) src(%dma_wait3A_43 : memref<10240x128xbf16, #tpu.memory_space<hbm>>) dst(%arg8 : memref<128x128xbf16, #tpu.memory_space<vmem>>)
      "tpu.region"() ({
        %run_scoped3A = tpu.sem_alloc : memref<!tpu.dma_semaphore, #tpu.memory_space<semaphore_mem>>
        %dma_start3A_44 = arith.constant 0 : i32
        %dma_start3A_45 = arith.constant 0 : i32
        %dma_start3A_46 = tpu.memref_slice %arg9[%dma_start3A_44, %dma_start3A_45] : memref<10240x128xbf16, #tpu.memory_space<vmem_shared>> -> memref<10240x128xbf16, #tpu.memory_space<vmem_shared>>
        tpu.enqueue_indirect_dma source(%arg8 : memref<128x128xbf16, #tpu.memory_space<vmem>>) target(%dma_start3A_46 : memref<10240x128xbf16, #tpu.memory_space<vmem_shared>>) offsets(%arg7 : memref<128xi32, #tpu.memory_space<vmem>>) semaphore(%run_scoped3A : memref<!tpu.dma_semaphore, #tpu.memory_space<semaphore_mem>>) {add = true}
        %dma_wait3A_47 = arith.constant 0 : i32
        %dma_wait3A_48 = arith.constant 0 : i32
        %dma_wait3A_49 = tpu.memref_slice %arg9[%dma_wait3A_47, %dma_wait3A_48] : memref<10240x128xbf16, #tpu.memory_space<vmem_shared>> -> memref<10240x128xbf16, #tpu.memory_space<vmem_shared>>
        tpu.wait_indirect_dma semaphore(%run_scoped3A : memref<!tpu.dma_semaphore, #tpu.memory_space<semaphore_mem>>) src(%arg8 : memref<128x128xbf16, #tpu.memory_space<vmem>>) dst(%dma_wait3A_49 : memref<10240x128xbf16, #tpu.memory_space<vmem_shared>>)
        tpu.yield
      }) : () -> ()
    }
    %while3A_31 = arith.constant 1 : i32
    scf.for %while3A_35 = %while3A_29 to %while3A_25 step %while3A_31  : i32 {
      %mul3A_36 = arith.muli %while3A_35, %while3A : i32
      %add3A_37 = arith.addi %while3A_22, %mul3A_36 : i32
      %add3A_38 = arith.addi %add3A, %add3A_37 : i32
      "tpu.region"() ({
        %run_scoped3A = tpu.sem_alloc : memref<!tpu.dma_semaphore, #tpu.memory_space<semaphore_mem>>
        %dma_start3A_44 = arith.constant 0 : i32
        %dma_start3A_45 = tpu.memref_slice %arg3[%add3A_38, %dma_start3A_44] : memref<2528x128xi32, #tpu.memory_space<hbm>> -> memref<1x128xi32, #tpu.memory_space<hbm>>
        %dma_start3A_46 = tpu.memref_squeeze %dma_start3A_45 : memref<1x128xi32, #tpu.memory_space<hbm>> -> memref<128xi32, #tpu.memory_space<hbm>>
        %dma_start3A_47 = arith.constant 0 : i32
        %dma_start3A_48 = tpu.memref_slice %arg3[%add3A_38, %dma_start3A_47] : memref<2528x128xi32, #tpu.memory_space<hbm>> -> memref<1x128xi32, #tpu.memory_space<hbm>>
        %dma_start3A_49 = tpu.memref_squeeze %dma_start3A_48 : memref<1x128xi32, #tpu.memory_space<hbm>> -> memref<128xi32, #tpu.memory_space<hbm>>
        tpu.enqueue_dma source(%dma_start3A_49 : memref<128xi32, #tpu.memory_space<hbm>>) target(%arg6 : memref<128xi32, #tpu.memory_space<vmem>>) target_semaphore(%run_scoped3A : memref<!tpu.dma_semaphore, #tpu.memory_space<semaphore_mem>>)
        %dma_wait3A_50 = arith.constant 0 : i32
        %dma_wait3A_51 = tpu.memref_slice %arg3[%add3A_38, %dma_wait3A_50] : memref<2528x128xi32, #tpu.memory_space<hbm>> -> memref<1x128xi32, #tpu.memory_space<hbm>>
        %dma_wait3A_52 = tpu.memref_squeeze %dma_wait3A_51 : memref<1x128xi32, #tpu.memory_space<hbm>> -> memref<128xi32, #tpu.memory_space<hbm>>
        %dma_wait3A_53 = arith.constant 0 : i32
        %dma_wait3A_54 = tpu.memref_slice %arg3[%add3A_38, %dma_wait3A_53] : memref<2528x128xi32, #tpu.memory_space<hbm>> -> memref<1x128xi32, #tpu.memory_space<hbm>>
        %dma_wait3A_55 = tpu.memref_squeeze %dma_wait3A_54 : memref<1x128xi32, #tpu.memory_space<hbm>> -> memref<128xi32, #tpu.memory_space<hbm>>
        tpu.wait_dma2 semaphore(%run_scoped3A : memref<!tpu.dma_semaphore, #tpu.memory_space<semaphore_mem>>) src(%dma_wait3A_55 : memref<128xi32, #tpu.memory_space<hbm>>) dst(%arg6 : memref<128xi32, #tpu.memory_space<vmem>>)
        tpu.yield
      }) : () -> ()
      %add3A_39 = arith.addi %add3A, %add3A_37 : i32
      "tpu.region"() ({
        %run_scoped3A = tpu.sem_alloc : memref<!tpu.dma_semaphore, #tpu.memory_space<semaphore_mem>>
        %dma_start3A_44 = arith.constant 0 : i32
        %dma_start3A_45 = tpu.memref_slice %arg4[%add3A_39, %dma_start3A_44] : memref<2528x128xi32, #tpu.memory_space<hbm>> -> memref<1x128xi32, #tpu.memory_space<hbm>>
        %dma_start3A_46 = tpu.memref_squeeze %dma_start3A_45 : memref<1x128xi32, #tpu.memory_space<hbm>> -> memref<128xi32, #tpu.memory_space<hbm>>
        %dma_start3A_47 = arith.constant 0 : i32
        %dma_start3A_48 = tpu.memref_slice %arg4[%add3A_39, %dma_start3A_47] : memref<2528x128xi32, #tpu.memory_space<hbm>> -> memref<1x128xi32, #tpu.memory_space<hbm>>
        %dma_start3A_49 = tpu.memref_squeeze %dma_start3A_48 : memref<1x128xi32, #tpu.memory_space<hbm>> -> memref<128xi32, #tpu.memory_space<hbm>>
        tpu.enqueue_dma source(%dma_start3A_49 : memref<128xi32, #tpu.memory_space<hbm>>) target(%arg7 : memref<128xi32, #tpu.memory_space<vmem>>) target_semaphore(%run_scoped3A : memref<!tpu.dma_semaphore, #tpu.memory_space<semaphore_mem>>)
        %dma_wait3A_50 = arith.constant 0 : i32
        %dma_wait3A_51 = tpu.memref_slice %arg4[%add3A_39, %dma_wait3A_50] : memref<2528x128xi32, #tpu.memory_space<hbm>> -> memref<1x128xi32, #tpu.memory_space<hbm>>
        %dma_wait3A_52 = tpu.memref_squeeze %dma_wait3A_51 : memref<1x128xi32, #tpu.memory_space<hbm>> -> memref<128xi32, #tpu.memory_space<hbm>>
        %dma_wait3A_53 = arith.constant 0 : i32
        %dma_wait3A_54 = tpu.memref_slice %arg4[%add3A_39, %dma_wait3A_53] : memref<2528x128xi32, #tpu.memory_space<hbm>> -> memref<1x128xi32, #tpu.memory_space<hbm>>
        %dma_wait3A_55 = tpu.memref_squeeze %dma_wait3A_54 : memref<1x128xi32, #tpu.memory_space<hbm>> -> memref<128xi32, #tpu.memory_space<hbm>>
        tpu.wait_dma2 semaphore(%run_scoped3A : memref<!tpu.dma_semaphore, #tpu.memory_space<semaphore_mem>>) src(%dma_wait3A_55 : memref<128xi32, #tpu.memory_space<hbm>>) dst(%arg7 : memref<128xi32, #tpu.memory_space<vmem>>)
        tpu.yield
      }) : () -> ()
      %dma_start3A = arith.constant 0 : i32
      %dma_start3A_40 = arith.constant 0 : i32
      %dma_start3A_41 = tpu.memref_slice %arg2[%dma_start3A, %dma_start3A_40] : memref<10240x128xbf16, #tpu.memory_space<hbm>> -> memref<10240x128xbf16, #tpu.memory_space<hbm>>
      tpu.enqueue_indirect_dma source(%dma_start3A_41 : memref<10240x128xbf16, #tpu.memory_space<hbm>>) target(%arg8 : memref<128x128xbf16, #tpu.memory_space<vmem>>) offsets(%arg6 : memref<128xi32, #tpu.memory_space<vmem>>) semaphore(%arg10 : memref<!tpu.dma_semaphore, #tpu.memory_space<semaphore_mem>>)
      %dma_wait3A = arith.constant 0 : i32
      %dma_wait3A_42 = arith.constant 0 : i32
      %dma_wait3A_43 = tpu.memref_slice %arg2[%dma_wait3A, %dma_wait3A_42] : memref<10240x128xbf16, #tpu.memory_space<hbm>> -> memref<10240x128xbf16, #tpu.memory_space<hbm>>
      tpu.wait_indirect_dma semaphore(%arg10 : memref<!tpu.dma_semaphore, #tpu.memory_space<semaphore_mem>>) src(%dma_wait3A_43 : memref<10240x128xbf16, #tpu.memory_space<hbm>>) dst(%arg8 : memref<128x128xbf16, #tpu.memory_space<vmem>>)
      "tpu.region"() ({
        %run_scoped3A = tpu.sem_alloc : memref<!tpu.dma_semaphore, #tpu.memory_space<semaphore_mem>>
        %dma_start3A_44 = arith.constant 0 : i32
        %dma_start3A_45 = arith.constant 0 : i32
        %dma_start3A_46 = tpu.memref_slice %arg9[%dma_start3A_44, %dma_start3A_45] : memref<10240x128xbf16, #tpu.memory_space<vmem_shared>> -> memref<10240x128xbf16, #tpu.memory_space<vmem_shared>>
        tpu.enqueue_indirect_dma source(%arg8 : memref<128x128xbf16, #tpu.memory_space<vmem>>) target(%dma_start3A_46 : memref<10240x128xbf16, #tpu.memory_space<vmem_shared>>) offsets(%arg7 : memref<128xi32, #tpu.memory_space<vmem>>) semaphore(%run_scoped3A : memref<!tpu.dma_semaphore, #tpu.memory_space<semaphore_mem>>) {add = true}
        %dma_wait3A_47 = arith.constant 0 : i32
        %dma_wait3A_48 = arith.constant 0 : i32
        %dma_wait3A_49 = tpu.memref_slice %arg9[%dma_wait3A_47, %dma_wait3A_48] : memref<10240x128xbf16, #tpu.memory_space<vmem_shared>> -> memref<10240x128xbf16, #tpu.memory_space<vmem_shared>>
        tpu.wait_indirect_dma semaphore(%run_scoped3A : memref<!tpu.dma_semaphore, #tpu.memory_space<semaphore_mem>>) src(%arg8 : memref<128x128xbf16, #tpu.memory_space<vmem>>) dst(%dma_wait3A_49 : memref<10240x128xbf16, #tpu.memory_space<vmem_shared>>)
        tpu.yield
      }) : () -> ()
    }
    %barrier3A_32 = arith.constant 0 : index
    tpu.barrier barrier_id(%barrier3A_32)
    %mul3A_33 = arith.constant 640 : i32
    %mul3A_34 = arith.muli %arg1, %mul3A_33 : i32
    "tpu.region"() ({
      %run_scoped3A = tpu.sem_alloc : memref<!tpu.dma_semaphore, #tpu.memory_space<semaphore_mem>>
      %dma_start3A = arith.constant 0 : i32
      %dma_start3A_35 = tpu.memref_slice %arg5[%arg0, %mul3A_34, %dma_start3A] : memref<2x10240x128xbf16, #tpu.memory_space<hbm>> -> memref<1x640x128xbf16, #tpu.memory_space<hbm>>
      %dma_start3A_36 = tpu.memref_squeeze %dma_start3A_35 : memref<1x640x128xbf16, #tpu.memory_space<hbm>> -> memref<640x128xbf16, #tpu.memory_space<hbm>>
      %dma_start3A_37 = arith.constant 0 : i32
      %dma_start3A_38 = tpu.memref_slice %arg9[%mul3A_34, %dma_start3A_37] : memref<10240x128xbf16, #tpu.memory_space<vmem_shared>> -> memref<640x128xbf16, #tpu.memory_space<vmem_shared>>
      tpu.enqueue_dma source(%dma_start3A_38 : memref<640x128xbf16, #tpu.memory_space<vmem_shared>>) target(%dma_start3A_36 : memref<640x128xbf16, #tpu.memory_space<hbm>>) target_semaphore(%run_scoped3A : memref<!tpu.dma_semaphore, #tpu.memory_space<semaphore_mem>>)
      %dma_wait3A = arith.constant 0 : i32
      %dma_wait3A_39 = tpu.memref_slice %arg5[%arg0, %mul3A_34, %dma_wait3A] : memref<2x10240x128xbf16, #tpu.memory_space<hbm>> -> memref<1x640x128xbf16, #tpu.memory_space<hbm>>
      %dma_wait3A_40 = tpu.memref_squeeze %dma_wait3A_39 : memref<1x640x128xbf16, #tpu.memory_space<hbm>> -> memref<640x128xbf16, #tpu.memory_space<hbm>>
      %dma_wait3A_41 = arith.constant 0 : i32
      %dma_wait3A_42 = tpu.memref_slice %arg9[%mul3A_34, %dma_wait3A_41] : memref<10240x128xbf16, #tpu.memory_space<vmem_shared>> -> memref<640x128xbf16, #tpu.memory_space<vmem_shared>>
      tpu.wait_dma2 semaphore(%run_scoped3A : memref<!tpu.dma_semaphore, #tpu.memory_space<semaphore_mem>>) src(%dma_wait3A_42 : memref<640x128xbf16, #tpu.memory_space<vmem_shared>>) dst(%dma_wait3A_40 : memref<640x128xbf16, #tpu.memory_space<hbm>>)
      tpu.yield
    }) : () -> ()
    return
  }
}

#map = affine_map<(d0, d1) -> (0, 0)>
#map1 = affine_map<(d0, d1) -> (0, 0, 0)>
module attributes {stable_mosaic.version = 14 : i64} {
  func.func @sc_scatter(%arg0: i32, %arg1: i32, %arg2: memref<10240x128xbf16, #tpu.memory_space<hbm>>, %arg3: memref<2528x128xi32, #tpu.memory_space<hbm>>, %arg4: memref<2528x128xi32, #tpu.memory_space<hbm>>, %arg5: memref<2x10240x128xbf16, #tpu.memory_space<hbm>>, %arg6: memref<128xi32, #tpu.memory_space<vmem>>, %arg7: memref<128xi32, #tpu.memory_space<vmem>>, %arg8: memref<128x128xbf16, #tpu.memory_space<vmem>>, %arg9: memref<10240x128xbf16, #tpu.memory_space<vmem_shared>>, %arg10: memref<!tpu.dma_semaphore, #tpu.memory_space<semaphore_mem>>) attributes {dimension_semantics = [#tpu.dimension_semantics<core_parallel>, #tpu.dimension_semantics<subcore_parallel>], iteration_bounds = array<i64: 2, 16>, scalar_prefetch = 0 : i64, scratch_operands = 5 : i64, tpu.core_type = #tpu.core_type<sc_vector_subcore>, window_params = [{transform_indices = #map}, {transform_indices = #map}, {transform_indices = #map}, {transform_indices = #map1}]} {
    %eq3A = arith.constant 0 : i32
    %eq3A_0 = arith.cmpi eq, %arg0, %eq3A : i32
    %jit3A = arith.constant 100 : i32
    %jit3A_1 = arith.constant 58 : i32
    %select_n3A = arith.select %eq3A_0, %jit3A, %jit3A_1 : i32
    %mul3A = arith.constant 16 : i32
    %mul3A_2 = arith.muli %arg0, %mul3A : i32
    %mul3A_3 = arith.constant 100 : i32
    %mul3A_4 = arith.muli %mul3A_2, %mul3A_3 : i32
    %mul3A_5 = arith.muli %arg1, %select_n3A : i32
    %add3A = arith.addi %mul3A_4, %mul3A_5 : i32
    %broadcast_in_dim3A = arith.constant 0.000000e+00 : bf16
    %broadcast_in_dim3A_6 = vector.broadcast %broadcast_in_dim3A : bf16 to vector<32xbf16>
    %scan3A = arith.constant 0 : i32
    %scan3A_7 = arith.constant 128 : i32
    %scan3A_8 = arith.addi %scan3A, %scan3A_7 : i32
    %scan3A_9 = arith.constant 1 : i32
    scf.for %scan3A_35 = %scan3A to %scan3A_8 step %scan3A_9  : i32 {
      %mul3A_36 = arith.constant 1 : i32
      %mul3A_37 = arith.muli %scan3A_35, %mul3A_36 : i32
      %add3A_38 = arith.constant 0 : i32
      %add3A_39 = arith.addi %add3A_38, %mul3A_37 : i32
      %scan3A_40 = arith.constant 0 : i32
      %scan3A_41 = arith.constant 4 : i32
      %scan3A_42 = arith.addi %scan3A_40, %scan3A_41 : i32
      %scan3A_43 = arith.constant 1 : i32
      scf.for %scan3A_45 = %scan3A_40 to %scan3A_42 step %scan3A_43  : i32 {
        %mul3A_46 = arith.constant 1 : i32
        %mul3A_47 = arith.muli %scan3A_45, %mul3A_46 : i32
        %add3A_48 = arith.constant 0 : i32
        %add3A_49 = arith.addi %add3A_48, %mul3A_47 : i32
        %mul3A_50 = arith.constant 32 : i32
        %mul3A_51 = arith.muli %add3A_49, %mul3A_50 : i32
        %swap3A = arith.index_cast %add3A_39 : i32 to index
        %swap3A_52 = arith.index_cast %mul3A_51 : i32 to index
        %swap3A_53 = tpu.vector_load %arg8[%swap3A, %swap3A_52] {strides = array<i32>} : memref<128x128xbf16, #tpu.memory_space<vmem>>, vector<1x32xbf16>,
        %swap3A_54 = vector.shape_cast %swap3A_53 : vector<1x32xbf16> to vector<32xbf16>
        %swap3A_55 = vector.shape_cast %broadcast_in_dim3A_6 : vector<32xbf16> to vector<1x32xbf16>
        tpu.vector_store %arg8[%swap3A, %swap3A_52], %swap3A_55 {strides = array<i32>} : memref<128x128xbf16, #tpu.memory_space<vmem>>, vector<1x32xbf16>,
      }
      %scan3A_44 = arith.constant 4 : i32
    }
    %scan3A_10 = arith.constant 128 : i32
    %scan3A_11 = arith.constant 0 : i32
    %scan3A_12 = arith.constant 5 : i32
    %scan3A_13 = arith.addi %scan3A_11, %scan3A_12 : i32
    %scan3A_14 = arith.constant 1 : i32
    scf.for %scan3A_35 = %scan3A_11 to %scan3A_13 step %scan3A_14  : i32 {
      %mul3A_36 = arith.constant 1 : i32
      %mul3A_37 = arith.muli %scan3A_35, %mul3A_36 : i32
      %add3A_38 = arith.constant 0 : i32
      %add3A_39 = arith.addi %add3A_38, %mul3A_37 : i32
      %mul3A_40 = arith.constant 640 : i32
      %mul3A_41 = arith.muli %arg1, %mul3A_40 : i32
      %mul3A_42 = arith.constant 128 : i32
      %mul3A_43 = arith.muli %add3A_39, %mul3A_42 : i32
      %add3A_44 = arith.addi %mul3A_41, %mul3A_43 : i32
      "tpu.region"() ({
        %run_scoped3A = tpu.sem_alloc : memref<!tpu.dma_semaphore, #tpu.memory_space<semaphore_mem>>
        %dma_start3A = arith.constant 0 : i32
        %dma_start3A_45 = arith.constant 0 : i32
        %dma_start3A_46 = tpu.memref_slice %arg8[%dma_start3A, %dma_start3A_45] : memref<128x128xbf16, #tpu.memory_space<vmem>> -> memref<128x128xbf16, #tpu.memory_space<vmem>>
        %dma_start3A_47 = arith.constant 0 : i32
        %dma_start3A_48 = tpu.memref_slice %arg9[%add3A_44, %dma_start3A_47] : memref<10240x128xbf16, #tpu.memory_space<vmem_shared>> -> memref<128x128xbf16, #tpu.memory_space<vmem_shared>>
        %dma_start3A_49 = arith.constant 0 : i32
        %dma_start3A_50 = tpu.memref_slice %arg9[%add3A_44, %dma_start3A_49] : memref<10240x128xbf16, #tpu.memory_space<vmem_shared>> -> memref<128x128xbf16, #tpu.memory_space<vmem_shared>>
        %dma_start3A_51 = arith.constant 0 : i32
        %dma_start3A_52 = arith.constant 0 : i32
        %dma_start3A_53 = tpu.memref_slice %arg8[%dma_start3A_51, %dma_start3A_52] : memref<128x128xbf16, #tpu.memory_space<vmem>> -> memref<128x128xbf16, #tpu.memory_space<vmem>>
        tpu.enqueue_dma source(%dma_start3A_53 : memref<128x128xbf16, #tpu.memory_space<vmem>>) target(%dma_start3A_50 : memref<128x128xbf16, #tpu.memory_space<vmem_shared>>) target_semaphore(%run_scoped3A : memref<!tpu.dma_semaphore, #tpu.memory_space<semaphore_mem>>)
        %dma_wait3A = arith.constant 0 : i32
        %dma_wait3A_54 = arith.constant 0 : i32
        %dma_wait3A_55 = tpu.memref_slice %arg8[%dma_wait3A, %dma_wait3A_54] : memref<128x128xbf16, #tpu.memory_space<vmem>> -> memref<128x128xbf16, #tpu.memory_space<vmem>>
        %dma_wait3A_56 = arith.constant 0 : i32
        %dma_wait3A_57 = tpu.memref_slice %arg9[%add3A_44, %dma_wait3A_56] : memref<10240x128xbf16, #tpu.memory_space<vmem_shared>> -> memref<128x128xbf16, #tpu.memory_space<vmem_shared>>
        %dma_wait3A_58 = arith.constant 0 : i32
        %dma_wait3A_59 = tpu.memref_slice %arg9[%add3A_44, %dma_wait3A_58] : memref<10240x128xbf16, #tpu.memory_space<vmem_shared>> -> memref<128x128xbf16, #tpu.memory_space<vmem_shared>>
        %dma_wait3A_60 = arith.constant 0 : i32
        %dma_wait3A_61 = arith.constant 0 : i32
        %dma_wait3A_62 = tpu.memref_slice %arg8[%dma_wait3A_60, %dma_wait3A_61] : memref<128x128xbf16, #tpu.memory_space<vmem>> -> memref<128x128xbf16, #tpu.memory_space<vmem>>
        tpu.wait_dma2 semaphore(%run_scoped3A : memref<!tpu.dma_semaphore, #tpu.memory_space<semaphore_mem>>) src(%dma_wait3A_62 : memref<128x128xbf16, #tpu.memory_space<vmem>>) dst(%dma_wait3A_59 : memref<128x128xbf16, #tpu.memory_space<vmem_shared>>)
        tpu.yield
      }) : () -> ()
    }
    %scan3A_15 = arith.constant 5 : i32
    %barrier3A = arith.constant 0 : index
    tpu.barrier barrier_id(%barrier3A)
    %sub3A = arith.constant 0 : i32
    %sub3A_16 = arith.subi %select_n3A, %sub3A : i32
    %sub3A_17 = arith.constant 1 : i32
    %sub3A_18 = arith.constant 1 : i32
    %sub3A_19 = arith.subi %sub3A_17, %sub3A_18 : i32
    %add3A_20 = arith.addi %sub3A_16, %sub3A_19 : i32
    %div3A = arith.constant 1 : i32
    %div3A_21 = arith.divsi %add3A_20, %div3A : i32
    %while3A = arith.constant 1 : i32
    %while3A_22 = arith.constant 0 : i32
    %while3A_23 = arith.constant 0 : i32
    %while3A_24 = arith.subi %div3A_21, %while3A_23 : i32
    %while3A_25 = arith.addi %while3A_23, %while3A_24 : i32
    %while3A_26 = arith.constant 1 : i32
    %while3A_27 = arith.divsi %while3A_24, %while3A_26 : i32
    %while3A_28 = arith.muli %while3A_27, %while3A_26 : i32
    %while3A_29 = arith.addi %while3A_23, %while3A_28 : i32
    %while3A_30 = arith.constant 1 : i32
    scf.for %while3A_35 = %while3A_23 to %while3A_29 step %while3A_30  : i32 {
      %mul3A_36 = arith.muli %while3A_35, %while3A : i32
      %add3A_37 = arith.addi %while3A_22, %mul3A_36 : i32
      %add3A_38 = arith.addi %add3A, %add3A_37 : i32
      "tpu.region"() ({
        %run_scoped3A = tpu.sem_alloc : memref<!tpu.dma_semaphore, #tpu.memory_space<semaphore_mem>>
        %dma_start3A_44 = arith.constant 0 : i32
        %dma_start3A_45 = tpu.memref_slice %arg3[%add3A_38, %dma_start3A_44] : memref<2528x128xi32, #tpu.memory_space<hbm>> -> memref<1x128xi32, #tpu.memory_space<hbm>>
        %dma_start3A_46 = tpu.memref_squeeze %dma_start3A_45 : memref<1x128xi32, #tpu.memory_space<hbm>> -> memref<128xi32, #tpu.memory_space<hbm>>
        %dma_start3A_47 = arith.constant 0 : i32
        %dma_start3A_48 = tpu.memref_slice %arg3[%add3A_38, %dma_start3A_47] : memref<2528x128xi32, #tpu.memory_space<hbm>> -> memref<1x128xi32, #tpu.memory_space<hbm>>
        %dma_start3A_49 = tpu.memref_squeeze %dma_start3A_48 : memref<1x128xi32, #tpu.memory_space<hbm>> -> memref<128xi32, #tpu.memory_space<hbm>>
        tpu.enqueue_dma source(%dma_start3A_49 : memref<128xi32, #tpu.memory_space<hbm>>) target(%arg6 : memref<128xi32, #tpu.memory_space<vmem>>) target_semaphore(%run_scoped3A : memref<!tpu.dma_semaphore, #tpu.memory_space<semaphore_mem>>)
        %dma_wait3A_50 = arith.constant 0 : i32
        %dma_wait3A_51 = tpu.memref_slice %arg3[%add3A_38, %dma_wait3A_50] : memref<2528x128xi32, #tpu.memory_space<hbm>> -> memref<1x128xi32, #tpu.memory_space<hbm>>
        %dma_wait3A_52 = tpu.memref_squeeze %dma_wait3A_51 : memref<1x128xi32, #tpu.memory_space<hbm>> -> memref<128xi32, #tpu.memory_space<hbm>>
        %dma_wait3A_53 = arith.constant 0 : i32
        %dma_wait3A_54 = tpu.memref_slice %arg3[%add3A_38, %dma_wait3A_53] : memref<2528x128xi32, #tpu.memory_space<hbm>> -> memref<1x128xi32, #tpu.memory_space<hbm>>
        %dma_wait3A_55 = tpu.memref_squeeze %dma_wait3A_54 : memref<1x128xi32, #tpu.memory_space<hbm>> -> memref<128xi32, #tpu.memory_space<hbm>>
        tpu.wait_dma2 semaphore(%run_scoped3A : memref<!tpu.dma_semaphore, #tpu.memory_space<semaphore_mem>>) src(%dma_wait3A_55 : memref<128xi32, #tpu.memory_space<hbm>>) dst(%arg6 : memref<128xi32, #tpu.memory_space<vmem>>)
        tpu.yield
      }) : () -> ()
      %add3A_39 = arith.addi %add3A, %add3A_37 : i32
      "tpu.region"() ({
        %run_scoped3A = tpu.sem_alloc : memref<!tpu.dma_semaphore, #tpu.memory_space<semaphore_mem>>
        %dma_start3A_44 = arith.constant 0 : i32
        %dma_start3A_45 = tpu.memref_slice %arg4[%add3A_39, %dma_start3A_44] : memref<2528x128xi32, #tpu.memory_space<hbm>> -> memref<1x128xi32, #tpu.memory_space<hbm>>
        %dma_start3A_46 = tpu.memref_squeeze %dma_start3A_45 : memref<1x128xi32, #tpu.memory_space<hbm>> -> memref<128xi32, #tpu.memory_space<hbm>>
        %dma_start3A_47 = arith.constant 0 : i32
        %dma_start3A_48 = tpu.memref_slice %arg4[%add3A_39, %dma_start3A_47] : memref<2528x128xi32, #tpu.memory_space<hbm>> -> memref<1x128xi32, #tpu.memory_space<hbm>>
        %dma_start3A_49 = tpu.memref_squeeze %dma_start3A_48 : memref<1x128xi32, #tpu.memory_space<hbm>> -> memref<128xi32, #tpu.memory_space<hbm>>
        tpu.enqueue_dma source(%dma_start3A_49 : memref<128xi32, #tpu.memory_space<hbm>>) target(%arg7 : memref<128xi32, #tpu.memory_space<vmem>>) target_semaphore(%run_scoped3A : memref<!tpu.dma_semaphore, #tpu.memory_space<semaphore_mem>>)
        %dma_wait3A_50 = arith.constant 0 : i32
        %dma_wait3A_51 = tpu.memref_slice %arg4[%add3A_39, %dma_wait3A_50] : memref<2528x128xi32, #tpu.memory_space<hbm>> -> memref<1x128xi32, #tpu.memory_space<hbm>>
        %dma_wait3A_52 = tpu.memref_squeeze %dma_wait3A_51 : memref<1x128xi32, #tpu.memory_space<hbm>> -> memref<128xi32, #tpu.memory_space<hbm>>
        %dma_wait3A_53 = arith.constant 0 : i32
        %dma_wait3A_54 = tpu.memref_slice %arg4[%add3A_39, %dma_wait3A_53] : memref<2528x128xi32, #tpu.memory_space<hbm>> -> memref<1x128xi32, #tpu.memory_space<hbm>>
        %dma_wait3A_55 = tpu.memref_squeeze %dma_wait3A_54 : memref<1x128xi32, #tpu.memory_space<hbm>> -> memref<128xi32, #tpu.memory_space<hbm>>
        tpu.wait_dma2 semaphore(%run_scoped3A : memref<!tpu.dma_semaphore, #tpu.memory_space<semaphore_mem>>) src(%dma_wait3A_55 : memref<128xi32, #tpu.memory_space<hbm>>) dst(%arg7 : memref<128xi32, #tpu.memory_space<vmem>>)
        tpu.yield
      }) : () -> ()
      %dma_start3A = arith.constant 0 : i32
      %dma_start3A_40 = arith.constant 0 : i32
      %dma_start3A_41 = tpu.memref_slice %arg2[%dma_start3A, %dma_start3A_40] : memref<10240x128xbf16, #tpu.memory_space<hbm>> -> memref<10240x128xbf16, #tpu.memory_space<hbm>>
      tpu.enqueue_indirect_dma source(%dma_start3A_41 : memref<10240x128xbf16, #tpu.memory_space<hbm>>) target(%arg8 : memref<128x128xbf16, #tpu.memory_space<vmem>>) offsets(%arg6 : memref<128xi32, #tpu.memory_space<vmem>>) semaphore(%arg10 : memref<!tpu.dma_semaphore, #tpu.memory_space<semaphore_mem>>)
      %dma_wait3A = arith.constant 0 : i32
      %dma_wait3A_42 = arith.constant 0 : i32
      %dma_wait3A_43 = tpu.memref_slice %arg2[%dma_wait3A, %dma_wait3A_42] : memref<10240x128xbf16, #tpu.memory_space<hbm>> -> memref<10240x128xbf16, #tpu.memory_space<hbm>>
      tpu.wait_indirect_dma semaphore(%arg10 : memref<!tpu.dma_semaphore, #tpu.memory_space<semaphore_mem>>) src(%dma_wait3A_43 : memref<10240x128xbf16, #tpu.memory_space<hbm>>) dst(%arg8 : memref<128x128xbf16, #tpu.memory_space<vmem>>)
      "tpu.region"() ({
        %run_scoped3A = tpu.sem_alloc : memref<!tpu.dma_semaphore, #tpu.memory_space<semaphore_mem>>
        %dma_start3A_44 = arith.constant 0 : i32
        %dma_start3A_45 = arith.constant 0 : i32
        %dma_start3A_46 = tpu.memref_slice %arg9[%dma_start3A_44, %dma_start3A_45] : memref<10240x128xbf16, #tpu.memory_space<vmem_shared>> -> memref<10240x128xbf16, #tpu.memory_space<vmem_shared>>
        tpu.enqueue_indirect_dma source(%arg8 : memref<128x128xbf16, #tpu.memory_space<vmem>>) target(%dma_start3A_46 : memref<10240x128xbf16, #tpu.memory_space<vmem_shared>>) offsets(%arg7 : memref<128xi32, #tpu.memory_space<vmem>>) semaphore(%run_scoped3A : memref<!tpu.dma_semaphore, #tpu.memory_space<semaphore_mem>>) {add = true}
        %dma_wait3A_47 = arith.constant 0 : i32
        %dma_wait3A_48 = arith.constant 0 : i32
        %dma_wait3A_49 = tpu.memref_slice %arg9[%dma_wait3A_47, %dma_wait3A_48] : memref<10240x128xbf16, #tpu.memory_space<vmem_shared>> -> memref<10240x128xbf16, #tpu.memory_space<vmem_shared>>
        tpu.wait_indirect_dma semaphore(%run_scoped3A : memref<!tpu.dma_semaphore, #tpu.memory_space<semaphore_mem>>) src(%arg8 : memref<128x128xbf16, #tpu.memory_space<vmem>>) dst(%dma_wait3A_49 : memref<10240x128xbf16, #tpu.memory_space<vmem_shared>>)
        tpu.yield
      }) : () -> ()
    }
    %while3A_31 = arith.constant 1 : i32
    scf.for %while3A_35 = %while3A_29 to %while3A_25 step %while3A_31  : i32 {
      %mul3A_36 = arith.muli %while3A_35, %while3A : i32
      %add3A_37 = arith.addi %while3A_22, %mul3A_36 : i32
      %add3A_38 = arith.addi %add3A, %add3A_37 : i32
      "tpu.region"() ({
        %run_scoped3A = tpu.sem_alloc : memref<!tpu.dma_semaphore, #tpu.memory_space<semaphore_mem>>
        %dma_start3A_44 = arith.constant 0 : i32
        %dma_start3A_45 = tpu.memref_slice %arg3[%add3A_38, %dma_start3A_44] : memref<2528x128xi32, #tpu.memory_space<hbm>> -> memref<1x128xi32, #tpu.memory_space<hbm>>
        %dma_start3A_46 = tpu.memref_squeeze %dma_start3A_45 : memref<1x128xi32, #tpu.memory_space<hbm>> -> memref<128xi32, #tpu.memory_space<hbm>>
        %dma_start3A_47 = arith.constant 0 : i32
        %dma_start3A_48 = tpu.memref_slice %arg3[%add3A_38, %dma_start3A_47] : memref<2528x128xi32, #tpu.memory_space<hbm>> -> memref<1x128xi32, #tpu.memory_space<hbm>>
        %dma_start3A_49 = tpu.memref_squeeze %dma_start3A_48 : memref<1x128xi32, #tpu.memory_space<hbm>> -> memref<128xi32, #tpu.memory_space<hbm>>
        tpu.enqueue_dma source(%dma_start3A_49 : memref<128xi32, #tpu.memory_space<hbm>>) target(%arg6 : memref<128xi32, #tpu.memory_space<vmem>>) target_semaphore(%run_scoped3A : memref<!tpu.dma_semaphore, #tpu.memory_space<semaphore_mem>>)
        %dma_wait3A_50 = arith.constant 0 : i32
        %dma_wait3A_51 = tpu.memref_slice %arg3[%add3A_38, %dma_wait3A_50] : memref<2528x128xi32, #tpu.memory_space<hbm>> -> memref<1x128xi32, #tpu.memory_space<hbm>>
        %dma_wait3A_52 = tpu.memref_squeeze %dma_wait3A_51 : memref<1x128xi32, #tpu.memory_space<hbm>> -> memref<128xi32, #tpu.memory_space<hbm>>
        %dma_wait3A_53 = arith.constant 0 : i32
        %dma_wait3A_54 = tpu.memref_slice %arg3[%add3A_38, %dma_wait3A_53] : memref<2528x128xi32, #tpu.memory_space<hbm>> -> memref<1x128xi32, #tpu.memory_space<hbm>>
        %dma_wait3A_55 = tpu.memref_squeeze %dma_wait3A_54 : memref<1x128xi32, #tpu.memory_space<hbm>> -> memref<128xi32, #tpu.memory_space<hbm>>
        tpu.wait_dma2 semaphore(%run_scoped3A : memref<!tpu.dma_semaphore, #tpu.memory_space<semaphore_mem>>) src(%dma_wait3A_55 : memref<128xi32, #tpu.memory_space<hbm>>) dst(%arg6 : memref<128xi32, #tpu.memory_space<vmem>>)
        tpu.yield
      }) : () -> ()
      %add3A_39 = arith.addi %add3A, %add3A_37 : i32
      "tpu.region"() ({
        %run_scoped3A = tpu.sem_alloc : memref<!tpu.dma_semaphore, #tpu.memory_space<semaphore_mem>>
        %dma_start3A_44 = arith.constant 0 : i32
        %dma_start3A_45 = tpu.memref_slice %arg4[%add3A_39, %dma_start3A_44] : memref<2528x128xi32, #tpu.memory_space<hbm>> -> memref<1x128xi32, #tpu.memory_space<hbm>>
        %dma_start3A_46 = tpu.memref_squeeze %dma_start3A_45 : memref<1x128xi32, #tpu.memory_space<hbm>> -> memref<128xi32, #tpu.memory_space<hbm>>
        %dma_start3A_47 = arith.constant 0 : i32
        %dma_start3A_48 = tpu.memref_slice %arg4[%add3A_39, %dma_start3A_47] : memref<2528x128xi32, #tpu.memory_space<hbm>> -> memref<1x128xi32, #tpu.memory_space<hbm>>
        %dma_start3A_49 = tpu.memref_squeeze %dma_start3A_48 : memref<1x128xi32, #tpu.memory_space<hbm>> -> memref<128xi32, #tpu.memory_space<hbm>>
        tpu.enqueue_dma source(%dma_start3A_49 : memref<128xi32, #tpu.memory_space<hbm>>) target(%arg7 : memref<128xi32, #tpu.memory_space<vmem>>) target_semaphore(%run_scoped3A : memref<!tpu.dma_semaphore, #tpu.memory_space<semaphore_mem>>)
        %dma_wait3A_50 = arith.constant 0 : i32
        %dma_wait3A_51 = tpu.memref_slice %arg4[%add3A_39, %dma_wait3A_50] : memref<2528x128xi32, #tpu.memory_space<hbm>> -> memref<1x128xi32, #tpu.memory_space<hbm>>
        %dma_wait3A_52 = tpu.memref_squeeze %dma_wait3A_51 : memref<1x128xi32, #tpu.memory_space<hbm>> -> memref<128xi32, #tpu.memory_space<hbm>>
        %dma_wait3A_53 = arith.constant 0 : i32
        %dma_wait3A_54 = tpu.memref_slice %arg4[%add3A_39, %dma_wait3A_53] : memref<2528x128xi32, #tpu.memory_space<hbm>> -> memref<1x128xi32, #tpu.memory_space<hbm>>
        %dma_wait3A_55 = tpu.memref_squeeze %dma_wait3A_54 : memref<1x128xi32, #tpu.memory_space<hbm>> -> memref<128xi32, #tpu.memory_space<hbm>>
        tpu.wait_dma2 semaphore(%run_scoped3A : memref<!tpu.dma_semaphore, #tpu.memory_space<semaphore_mem>>) src(%dma_wait3A_55 : memref<128xi32, #tpu.memory_space<hbm>>) dst(%arg7 : memref<128xi32, #tpu.memory_space<vmem>>)
        tpu.yield
      }) : () -> ()
      %dma_start3A = arith.constant 0 : i32
      %dma_start3A_40 = arith.constant 0 : i32
      %dma_start3A_41 = tpu.memref_slice %arg2[%dma_start3A, %dma_start3A_40] : memref<10240x128xbf16, #tpu.memory_space<hbm>> -> memref<10240x128xbf16, #tpu.memory_space<hbm>>
      tpu.enqueue_indirect_dma source(%dma_start3A_41 : memref<10240x128xbf16, #tpu.memory_space<hbm>>) target(%arg8 : memref<128x128xbf16, #tpu.memory_space<vmem>>) offsets(%arg6 : memref<128xi32, #tpu.memory_space<vmem>>) semaphore(%arg10 : memref<!tpu.dma_semaphore, #tpu.memory_space<semaphore_mem>>)
      %dma_wait3A = arith.constant 0 : i32
      %dma_wait3A_42 = arith.constant 0 : i32
      %dma_wait3A_43 = tpu.memref_slice %arg2[%dma_wait3A, %dma_wait3A_42] : memref<10240x128xbf16, #tpu.memory_space<hbm>> -> memref<10240x128xbf16, #tpu.memory_space<hbm>>
      tpu.wait_indirect_dma semaphore(%arg10 : memref<!tpu.dma_semaphore, #tpu.memory_space<semaphore_mem>>) src(%dma_wait3A_43 : memref<10240x128xbf16, #tpu.memory_space<hbm>>) dst(%arg8 : memref<128x128xbf16, #tpu.memory_space<vmem>>)
      "tpu.region"() ({
        %run_scoped3A = tpu.sem_alloc : memref<!tpu.dma_semaphore, #tpu.memory_space<semaphore_mem>>
        %dma_start3A_44 = arith.constant 0 : i32
        %dma_start3A_45 = arith.constant 0 : i32
        %dma_start3A_46 = tpu.memref_slice %arg9[%dma_start3A_44, %dma_start3A_45] : memref<10240x128xbf16, #tpu.memory_space<vmem_shared>> -> memref<10240x128xbf16, #tpu.memory_space<vmem_shared>>
        tpu.enqueue_indirect_dma source(%arg8 : memref<128x128xbf16, #tpu.memory_space<vmem>>) target(%dma_start3A_46 : memref<10240x128xbf16, #tpu.memory_space<vmem_shared>>) offsets(%arg7 : memref<128xi32, #tpu.memory_space<vmem>>) semaphore(%run_scoped3A : memref<!tpu.dma_semaphore, #tpu.memory_space<semaphore_mem>>) {add = true}
        %dma_wait3A_47 = arith.constant 0 : i32
        %dma_wait3A_48 = arith.constant 0 : i32
        %dma_wait3A_49 = tpu.memref_slice %arg9[%dma_wait3A_47, %dma_wait3A_48] : memref<10240x128xbf16, #tpu.memory_space<vmem_shared>> -> memref<10240x128xbf16, #tpu.memory_space<vmem_shared>>
        tpu.wait_indirect_dma semaphore(%run_scoped3A : memref<!tpu.dma_semaphore, #tpu.memory_space<semaphore_mem>>) src(%arg8 : memref<128x128xbf16, #tpu.memory_space<vmem>>) dst(%dma_wait3A_49 : memref<10240x128xbf16, #tpu.memory_space<vmem_shared>>)
        tpu.yield
      }) : () -> ()
    }
    %barrier3A_32 = arith.constant 0 : index
    tpu.barrier barrier_id(%barrier3A_32)
    %mul3A_33 = arith.constant 640 : i32
    %mul3A_34 = arith.muli %arg1, %mul3A_33 : i32
    "tpu.region"() ({
      %run_scoped3A = tpu.sem_alloc : memref<!tpu.dma_semaphore, #tpu.memory_space<semaphore_mem>>
      %dma_start3A = arith.constant 0 : i32
      %dma_start3A_35 = tpu.memref_slice %arg5[%arg0, %mul3A_34, %dma_start3A] : memref<2x10240x128xbf16, #tpu.memory_space<hbm>> -> memref<1x640x128xbf16, #tpu.memory_space<hbm>>
      %dma_start3A_36 = tpu.memref_squeeze %dma_start3A_35 : memref<1x640x128xbf16, #tpu.memory_space<hbm>> -> memref<640x128xbf16, #tpu.memory_space<hbm>>
      %dma_start3A_37 = arith.constant 0 : i32
      %dma_start3A_38 = tpu.memref_slice %arg9[%mul3A_34, %dma_start3A_37] : memref<10240x128xbf16, #tpu.memory_space<vmem_shared>> -> memref<640x128xbf16, #tpu.memory_space<vmem_shared>>
      tpu.enqueue_dma source(%dma_start3A_38 : memref<640x128xbf16, #tpu.memory_space<vmem_shared>>) target(%dma_start3A_36 : memref<640x128xbf16, #tpu.memory_space<hbm>>) target_semaphore(%run_scoped3A : memref<!tpu.dma_semaphore, #tpu.memory_space<semaphore_mem>>)
      %dma_wait3A = arith.constant 0 : i32
      %dma_wait3A_39 = tpu.memref_slice %arg5[%arg0, %mul3A_34, %dma_wait3A] : memref<2x10240x128xbf16, #tpu.memory_space<hbm>> -> memref<1x640x128xbf16, #tpu.memory_space<hbm>>
      %dma_wait3A_40 = tpu.memref_squeeze %dma_wait3A_39 : memref<1x640x128xbf16, #tpu.memory_space<hbm>> -> memref<640x128xbf16, #tpu.memory_space<hbm>>
      %dma_wait3A_41 = arith.constant 0 : i32
      %dma_wait3A_42 = tpu.memref_slice %arg9[%mul3A_34, %dma_wait3A_41] : memref<10240x128xbf16, #tpu.memory_space<vmem_shared>> -> memref<640x128xbf16, #tpu.memory_space<vmem_shared>>
      tpu.wait_dma2 semaphore(%run_scoped3A : memref<!tpu.dma_semaphore, #tpu.memory_space<semaphore_mem>>) src(%dma_wait3A_42 : memref<640x128xbf16, #tpu.memory_space<vmem_shared>>) dst(%dma_wait3A_40 : memref<640x128xbf16, #tpu.memory_space<hbm>>)
      tpu.yield
    }) : () -> ()
    return
  }
}

module attributes {stable_mosaic.version = 14 : i64} {
  func.func @body(%arg0: i32, %arg1: memref<1280x128xf32, #tpu.memory_space<vmem>>, %arg2: memref<2x1280x16xf32, #tpu.memory_space<vmem>>, %arg3: memref<1280x128xbf16, #tpu.memory_space<vmem>>) attributes {dimension_semantics = [#tpu.dimension_semantics<arbitrary>], iteration_bounds = array<i64: 8>, scalar_prefetch = 0 : i64, scratch_operands = 0 : i64, tpu.core_type = #tpu.core_type<tc>, window_params = [{transform_indices = @transform_0, window_bounds = array<i64: 1280, 128>}, {transform_indices = @transform_1, window_bounds = array<i64: 2, 1280, 16>}, {transform_indices = @transform_2, window_bounds = array<i64: 1280, 128>}]} {
    %get3A = arith.constant 0 : index
    %get3A_0 = arith.constant 0 : index
    %get3A_1 = vector.load %arg1[%get3A, %get3A_0] : memref<1280x128xf32, #tpu.memory_space<vmem>>, vector<1280x128xf32>
    %get3A_2 = arith.constant 0 : index
    %get3A_3 = arith.constant 0 : index
    %get3A_4 = arith.constant 0 : index
    %get3A_5 = vector.load %arg2[%get3A_2, %get3A_3, %get3A_4] : memref<2x1280x16xf32, #tpu.memory_space<vmem>>, vector<1x1280x1xf32>
    %get3A_6 = vector.shape_cast %get3A_5 : vector<1x1280x1xf32> to vector<1280xf32>
    %get3A_7 = arith.constant 1 : index
    %get3A_8 = arith.constant 0 : index
    %get3A_9 = arith.constant 0 : index
    %get3A_10 = vector.load %arg2[%get3A_7, %get3A_8, %get3A_9] : memref<2x1280x16xf32, #tpu.memory_space<vmem>>, vector<1x1280x1xf32>
    %get3A_11 = vector.shape_cast %get3A_10 : vector<1x1280x1xf32> to vector<1280xf32>
    %add3A = arith.addf %get3A_6, %get3A_11 : vector<1280xf32>
    %add3A_12 = arith.constant 1.000000e+00 : f32
    %add3A_13 = vector.broadcast %add3A_12 : f32 to vector<1280xf32>
    %add3A_14 = arith.addf %add3A, %add3A_13 : vector<1280xf32>
    %rsqrt3A = math.rsqrt %add3A_14 : vector<1280xf32>
    %broadcast_in_dim3A = vector.shape_cast %rsqrt3A : vector<1280xf32> to vector<1280x1xf32>
    %mul3A = vector.broadcast %broadcast_in_dim3A : vector<1280x1xf32> to vector<1280x128xf32>
    %mul3A_15 = arith.mulf %get3A_1, %mul3A : vector<1280x128xf32>
    %convert_element_type3A = arith.truncf %mul3A_15 : vector<1280x128xf32> to vector<1280x128xbf16>
    %swap3A = arith.constant 0 : index
    %swap3A_16 = arith.constant 0 : index
    %swap3A_17 = vector.load %arg3[%swap3A, %swap3A_16] : memref<1280x128xbf16, #tpu.memory_space<vmem>>, vector<1280x128xbf16>
    tpu.vector_store %arg3[%swap3A, %swap3A_16], %convert_element_type3A {strides = array<i32>} : memref<1280x128xbf16, #tpu.memory_space<vmem>>, vector<1280x128xbf16>,
    return
  }
  func.func @transform_0(%arg0: i32) -> (i32, i32) {
    %c0_i32 = arith.constant 0 : i32
    %c0_i32_0 = arith.constant 0 : i32
    return %arg0, %c0_i32 : i32, i32
  }
  func.func @transform_1(%arg0: i32) -> (i32, i32, i32) {
    %c0_i32 = arith.constant 0 : i32
    %c0_i32_0 = arith.constant 0 : i32
    %c0_i32_1 = arith.constant 0 : i32
    return %c0_i32, %arg0, %c0_i32_0 : i32, i32, i32
  }
  func.func @transform_2(%arg0: i32) -> (i32, i32) {
    %c0_i32 = arith.constant 0 : i32
    %c0_i32_0 = arith.constant 0 : i32
    return %arg0, %c0_i32 : i32, i32
  }
}

module attributes {stable_mosaic.version = 14 : i64} {
  func.func @body(%arg0: i32, %arg1: memref<2x1280x128xbf16, #tpu.memory_space<vmem>>, %arg2: memref<1280x128xbf16, #tpu.memory_space<vmem>>, %arg3: memref<2x1280x16xf32, #tpu.memory_space<vmem>>, %arg4: memref<128x128xf32, #tpu.memory_space<vmem>>, %arg5: memref<1x128xf32, #tpu.memory_space<vmem>>, %arg6: memref<1280x128xbf16, #tpu.memory_space<vmem>>) attributes {dimension_semantics = [#tpu.dimension_semantics<arbitrary>], iteration_bounds = array<i64: 8>, scalar_prefetch = 0 : i64, scratch_operands = 0 : i64, tpu.core_type = #tpu.core_type<tc>, window_params = [{transform_indices = @transform_0, window_bounds = array<i64: 2, 1280, 128>}, {transform_indices = @transform_1, window_bounds = array<i64: 1280, 128>}, {transform_indices = @transform_2, window_bounds = array<i64: 2, 1280, 16>}, {pipeline_mode = #tpu.pipeline_mode<synchronous>, transform_indices = @transform_3, window_bounds = array<i64: 128, 128>}, {pipeline_mode = #tpu.pipeline_mode<synchronous>, transform_indices = @transform_4, window_bounds = array<i64: 1, 128>}, {transform_indices = @transform_5, window_bounds = array<i64: 1280, 128>}]} {
    %get3A = arith.constant 0 : index
    %get3A_0 = arith.constant 0 : index
    %get3A_1 = arith.constant 0 : index
    %get3A_2 = vector.load %arg3[%get3A, %get3A_0, %get3A_1] : memref<2x1280x16xf32, #tpu.memory_space<vmem>>, vector<1x1280x1xf32>
    %get3A_3 = vector.shape_cast %get3A_2 : vector<1x1280x1xf32> to vector<1280xf32>
    %get3A_4 = arith.constant 1 : index
    %get3A_5 = arith.constant 0 : index
    %get3A_6 = arith.constant 0 : index
    %get3A_7 = vector.load %arg3[%get3A_4, %get3A_5, %get3A_6] : memref<2x1280x16xf32, #tpu.memory_space<vmem>>, vector<1x1280x1xf32>
    %get3A_8 = vector.shape_cast %get3A_7 : vector<1x1280x1xf32> to vector<1280xf32>
    %add3A = arith.addf %get3A_3, %get3A_8 : vector<1280xf32>
    %add3A_9 = arith.constant 1.000000e+00 : f32
    %add3A_10 = vector.broadcast %add3A_9 : f32 to vector<1280xf32>
    %add3A_11 = arith.addf %add3A, %add3A_10 : vector<1280xf32>
    %rsqrt3A = math.rsqrt %add3A_11 : vector<1280xf32>
    %broadcast_in_dim3A = vector.shape_cast %rsqrt3A : vector<1280xf32> to vector<1280x1xf32>
    %get3A_12 = arith.constant 0 : index
    %get3A_13 = arith.constant 0 : index
    %get3A_14 = arith.constant 0 : index
    %get3A_15 = vector.load %arg1[%get3A_12, %get3A_13, %get3A_14] : memref<2x1280x128xbf16, #tpu.memory_space<vmem>>, vector<1x1280x128xbf16>
    %get3A_16 = vector.shape_cast %get3A_15 : vector<1x1280x128xbf16> to vector<1280x128xbf16>
    %convert_element_type3A = arith.extf %get3A_16 : vector<1280x128xbf16> to vector<1280x128xf32>
    %get3A_17 = arith.constant 1 : index
    %get3A_18 = arith.constant 0 : index
    %get3A_19 = arith.constant 0 : index
    %get3A_20 = vector.load %arg1[%get3A_17, %get3A_18, %get3A_19] : memref<2x1280x128xbf16, #tpu.memory_space<vmem>>, vector<1x1280x128xbf16>
    %get3A_21 = vector.shape_cast %get3A_20 : vector<1x1280x128xbf16> to vector<1280x128xbf16>
    %convert_element_type3A_22 = arith.extf %get3A_21 : vector<1280x128xbf16> to vector<1280x128xf32>
    %add3A_23 = arith.addf %convert_element_type3A, %convert_element_type3A_22 : vector<1280x128xf32>
    %get3A_24 = arith.constant 0 : index
    %get3A_25 = arith.constant 0 : index
    %get3A_26 = vector.load %arg2[%get3A_24, %get3A_25] : memref<1280x128xbf16, #tpu.memory_space<vmem>>, vector<1280x128xbf16>
    %convert_element_type3A_27 = arith.extf %get3A_26 : vector<1280x128xbf16> to vector<1280x128xf32>
    %add3A_28 = arith.addf %add3A_23, %convert_element_type3A_27 : vector<1280x128xf32>
    %mul3A = vector.broadcast %broadcast_in_dim3A : vector<1280x1xf32> to vector<1280x128xf32>
    %mul3A_29 = arith.mulf %mul3A, %add3A_28 : vector<1280x128xf32>
    %get3A_30 = arith.constant 0 : index
    %get3A_31 = arith.constant 0 : index
    %get3A_32 = vector.load %arg4[%get3A_30, %get3A_31] : memref<128x128xf32, #tpu.memory_space<vmem>>, vector<128x128xf32>
    %dot_general3A = arith.constant dense<0.000000e+00> : vector<1280x128xf32>
    %dot_general3A_33 = tpu.matmul %mul3A_29, %get3A_32, %dot_general3A {dimension_numbers = #tpu.dot_dimension_numbers<[1], [0], [0], [1], [0, 0, 1, 1], [], []>, transpose_lhs_hint = false} : vector<1280x128xf32>, vector<128x128xf32>, vector<1280x128xf32> -> vector<1280x128xf32>
    %get3A_34 = arith.constant 0 : index
    %get3A_35 = arith.constant 0 : index
    %get3A_36 = vector.load %arg5[%get3A_34, %get3A_35] : memref<1x128xf32, #tpu.memory_space<vmem>>, vector<1x128xf32>
    %add3A_37 = vector.broadcast %get3A_36 : vector<1x128xf32> to vector<1280x128xf32>
    %add3A_38 = arith.addf %dot_general3A_33, %add3A_37 : vector<1280x128xf32>
    %max3A = arith.constant 0.000000e+00 : f32
    %max3A_39 = vector.broadcast %max3A : f32 to vector<1280x128xf32>
    %max3A_40 = arith.maximumf %add3A_38, %max3A_39 : vector<1280x128xf32>
    %mul3A_41 = vector.broadcast %broadcast_in_dim3A : vector<1280x1xf32> to vector<1280x128xf32>
    %mul3A_42 = arith.mulf %mul3A_41, %max3A_40 : vector<1280x128xf32>
    %convert_element_type3A_43 = arith.truncf %mul3A_42 : vector<1280x128xf32> to vector<1280x128xbf16>
    %swap3A = arith.constant 0 : index
    %swap3A_44 = arith.constant 0 : index
    %swap3A_45 = vector.load %arg6[%swap3A, %swap3A_44] : memref<1280x128xbf16, #tpu.memory_space<vmem>>, vector<1280x128xbf16>
    tpu.vector_store %arg6[%swap3A, %swap3A_44], %convert_element_type3A_43 {strides = array<i32>} : memref<1280x128xbf16, #tpu.memory_space<vmem>>, vector<1280x128xbf16>,
    return
  }
  func.func @transform_0(%arg0: i32) -> (i32, i32, i32) {
    %c0_i32 = arith.constant 0 : i32
    %c0_i32_0 = arith.constant 0 : i32
    %c0_i32_1 = arith.constant 0 : i32
    return %c0_i32, %arg0, %c0_i32_0 : i32, i32, i32
  }
  func.func @transform_1(%arg0: i32) -> (i32, i32) {
    %c0_i32 = arith.constant 0 : i32
    %c0_i32_0 = arith.constant 0 : i32
    return %arg0, %c0_i32 : i32, i32
  }
  func.func @transform_2(%arg0: i32) -> (i32, i32, i32) {
    %c0_i32 = arith.constant 0 : i32
    %c0_i32_0 = arith.constant 0 : i32
    %c0_i32_1 = arith.constant 0 : i32
    return %c0_i32, %arg0, %c0_i32_0 : i32, i32, i32
  }
  func.func @transform_3(%arg0: i32) -> (i32, i32) {
    %c0_i32 = arith.constant 0 : i32
    %c0_i32_0 = arith.constant 0 : i32
    %c0_i32_1 = arith.constant 0 : i32
    return %c0_i32, %c0_i32_0 : i32, i32
  }
  func.func @transform_4(%arg0: i32) -> (i32, i32) {
    %c0_i32 = arith.constant 0 : i32
    %c0_i32_0 = arith.constant 0 : i32
    %c0_i32_1 = arith.constant 0 : i32
    return %c0_i32, %c0_i32_0 : i32, i32
  }
  func.func @transform_5(%arg0: i32) -> (i32, i32) {
    %c0_i32 = arith.constant 0 : i32
    %c0_i32_0 = arith.constant 0 : i32
    return %arg0, %c0_i32 : i32, i32
  }
}

module attributes {stable_mosaic.version = 14 : i64} {
  func.func @body(%arg0: i32, %arg1: memref<2x1280x128xbf16, #tpu.memory_space<vmem>>, %arg2: memref<1280x128xbf16, #tpu.memory_space<vmem>>, %arg3: memref<2x1280x16xf32, #tpu.memory_space<vmem>>, %arg4: memref<128x256xf32, #tpu.memory_space<vmem>>, %arg5: memref<1x256xf32, #tpu.memory_space<vmem>>, %arg6: memref<1280x256xf32, #tpu.memory_space<vmem>>) attributes {dimension_semantics = [#tpu.dimension_semantics<arbitrary>], iteration_bounds = array<i64: 8>, scalar_prefetch = 0 : i64, scratch_operands = 0 : i64, tpu.core_type = #tpu.core_type<tc>, window_params = [{transform_indices = @transform_0, window_bounds = array<i64: 2, 1280, 128>}, {transform_indices = @transform_1, window_bounds = array<i64: 1280, 128>}, {transform_indices = @transform_2, window_bounds = array<i64: 2, 1280, 16>}, {pipeline_mode = #tpu.pipeline_mode<synchronous>, transform_indices = @transform_3, window_bounds = array<i64: 128, 256>}, {pipeline_mode = #tpu.pipeline_mode<synchronous>, transform_indices = @transform_4, window_bounds = array<i64: 1, 256>}, {transform_indices = @transform_5, window_bounds = array<i64: 1280, 256>}]} {
    %get3A = arith.constant 0 : index
    %get3A_0 = arith.constant 0 : index
    %get3A_1 = arith.constant 0 : index
    %get3A_2 = vector.load %arg3[%get3A, %get3A_0, %get3A_1] : memref<2x1280x16xf32, #tpu.memory_space<vmem>>, vector<1x1280x1xf32>
    %get3A_3 = vector.shape_cast %get3A_2 : vector<1x1280x1xf32> to vector<1280xf32>
    %get3A_4 = arith.constant 1 : index
    %get3A_5 = arith.constant 0 : index
    %get3A_6 = arith.constant 0 : index
    %get3A_7 = vector.load %arg3[%get3A_4, %get3A_5, %get3A_6] : memref<2x1280x16xf32, #tpu.memory_space<vmem>>, vector<1x1280x1xf32>
    %get3A_8 = vector.shape_cast %get3A_7 : vector<1x1280x1xf32> to vector<1280xf32>
    %add3A = arith.addf %get3A_3, %get3A_8 : vector<1280xf32>
    %add3A_9 = arith.constant 1.000000e+00 : f32
    %add3A_10 = vector.broadcast %add3A_9 : f32 to vector<1280xf32>
    %add3A_11 = arith.addf %add3A, %add3A_10 : vector<1280xf32>
    %rsqrt3A = math.rsqrt %add3A_11 : vector<1280xf32>
    %broadcast_in_dim3A = vector.shape_cast %rsqrt3A : vector<1280xf32> to vector<1280x1xf32>
    %get3A_12 = arith.constant 0 : index
    %get3A_13 = arith.constant 0 : index
    %get3A_14 = arith.constant 0 : index
    %get3A_15 = vector.load %arg1[%get3A_12, %get3A_13, %get3A_14] : memref<2x1280x128xbf16, #tpu.memory_space<vmem>>, vector<1x1280x128xbf16>
    %get3A_16 = vector.shape_cast %get3A_15 : vector<1x1280x128xbf16> to vector<1280x128xbf16>
    %convert_element_type3A = arith.extf %get3A_16 : vector<1280x128xbf16> to vector<1280x128xf32>
    %get3A_17 = arith.constant 1 : index
    %get3A_18 = arith.constant 0 : index
    %get3A_19 = arith.constant 0 : index
    %get3A_20 = vector.load %arg1[%get3A_17, %get3A_18, %get3A_19] : memref<2x1280x128xbf16, #tpu.memory_space<vmem>>, vector<1x1280x128xbf16>
    %get3A_21 = vector.shape_cast %get3A_20 : vector<1x1280x128xbf16> to vector<1280x128xbf16>
    %convert_element_type3A_22 = arith.extf %get3A_21 : vector<1280x128xbf16> to vector<1280x128xf32>
    %add3A_23 = arith.addf %convert_element_type3A, %convert_element_type3A_22 : vector<1280x128xf32>
    %get3A_24 = arith.constant 0 : index
    %get3A_25 = arith.constant 0 : index
    %get3A_26 = vector.load %arg2[%get3A_24, %get3A_25] : memref<1280x128xbf16, #tpu.memory_space<vmem>>, vector<1280x128xbf16>
    %convert_element_type3A_27 = arith.extf %get3A_26 : vector<1280x128xbf16> to vector<1280x128xf32>
    %add3A_28 = arith.addf %add3A_23, %convert_element_type3A_27 : vector<1280x128xf32>
    %mul3A = vector.broadcast %broadcast_in_dim3A : vector<1280x1xf32> to vector<1280x128xf32>
    %mul3A_29 = arith.mulf %mul3A, %add3A_28 : vector<1280x128xf32>
    %get3A_30 = arith.constant 0 : index
    %get3A_31 = arith.constant 0 : index
    %get3A_32 = vector.load %arg4[%get3A_30, %get3A_31] : memref<128x256xf32, #tpu.memory_space<vmem>>, vector<128x256xf32>
    %dot_general3A = arith.constant dense<0.000000e+00> : vector<1280x256xf32>
    %dot_general3A_33 = tpu.matmul %mul3A_29, %get3A_32, %dot_general3A {dimension_numbers = #tpu.dot_dimension_numbers<[1], [0], [0], [1], [0, 0, 1, 1], [], []>, transpose_lhs_hint = false} : vector<1280x128xf32>, vector<128x256xf32>, vector<1280x256xf32> -> vector<1280x256xf32>
    %get3A_34 = arith.constant 0 : index
    %get3A_35 = arith.constant 0 : index
    %get3A_36 = vector.load %arg5[%get3A_34, %get3A_35] : memref<1x256xf32, #tpu.memory_space<vmem>>, vector<1x256xf32>
    %add3A_37 = vector.broadcast %get3A_36 : vector<1x256xf32> to vector<1280x256xf32>
    %add3A_38 = arith.addf %dot_general3A_33, %add3A_37 : vector<1280x256xf32>
    %iota3A = tpu.iota {dimensions = array<i32: 1>} : vector<1280x256xi32>
    %ge3A = arith.constant 128 : i32
    %ge3A_39 = vector.broadcast %ge3A : i32 to vector<1280x256xi32>
    %ge3A_40 = arith.cmpi sge, %iota3A, %ge3A_39 : vector<1280x256xi32>
    %exp3A = math.exp %add3A_38 : vector<1280x256xf32>
    %select_n3A = arith.select %ge3A_40, %exp3A, %add3A_38 : vector<1280x256xi1>, vector<1280x256xf32>
    %swap3A = arith.constant 0 : index
    %swap3A_41 = arith.constant 0 : index
    %swap3A_42 = vector.load %arg6[%swap3A, %swap3A_41] : memref<1280x256xf32, #tpu.memory_space<vmem>>, vector<1280x256xf32>
    tpu.vector_store %arg6[%swap3A, %swap3A_41], %select_n3A {strides = array<i32>} : memref<1280x256xf32, #tpu.memory_space<vmem>>, vector<1280x256xf32>,
    return
  }
  func.func @transform_0(%arg0: i32) -> (i32, i32, i32) {
    %c0_i32 = arith.constant 0 : i32
    %c0_i32_0 = arith.constant 0 : i32
    %c0_i32_1 = arith.constant 0 : i32
    return %c0_i32, %arg0, %c0_i32_0 : i32, i32, i32
  }
  func.func @transform_1(%arg0: i32) -> (i32, i32) {
    %c0_i32 = arith.constant 0 : i32
    %c0_i32_0 = arith.constant 0 : i32
    return %arg0, %c0_i32 : i32, i32
  }
  func.func @transform_2(%arg0: i32) -> (i32, i32, i32) {
    %c0_i32 = arith.constant 0 : i32
    %c0_i32_0 = arith.constant 0 : i32
    %c0_i32_1 = arith.constant 0 : i32
    return %c0_i32, %arg0, %c0_i32_0 : i32, i32, i32
  }
  func.func @transform_3(%arg0: i32) -> (i32, i32) {
    %c0_i32 = arith.constant 0 : i32
    %c0_i32_0 = arith.constant 0 : i32
    %c0_i32_1 = arith.constant 0 : i32
    return %c0_i32, %c0_i32_0 : i32, i32
  }
  func.func @transform_4(%arg0: i32) -> (i32, i32) {
    %c0_i32 = arith.constant 0 : i32
    %c0_i32_0 = arith.constant 0 : i32
    %c0_i32_1 = arith.constant 0 : i32
    return %c0_i32, %c0_i32_0 : i32, i32
  }
  func.func @transform_5(%arg0: i32) -> (i32, i32) {
    %c0_i32 = arith.constant 0 : i32
    %c0_i32_0 = arith.constant 0 : i32
    return %arg0, %c0_i32 : i32, i32
  }
}

</mosaic_0001>

<sc_bundles>
// kernel: kernel.11.cloned.1.call-start
scs
__scs_entry_jumppad:
0x0: {  	(pc) =	sbr.rel $0x88, $3  }
0x1: {  	(tag) =	ssettag $0x0;
	lr =	simm.s32 $0x1  }
0x2: {  	[smem:$0x3F9B] =	sst lr;
	_ =	strace $0xD0000000  }
0x3: {  	_ = 	snop  }
0x4: {  	_ = 	snop  }
0x5: {  	_ = 	snop  }
0x6: {  	_ = 	snop  }
0x7: {  	_ = 	snop  }
__scs_overlays_trampoline_lowered:
0x8: {  	[smem:$0x3FAA] =	sst s0  }
0x9: {  	[smem:$0x3FAB] =	sst s1  }
0xa: {  	[smem:$0x3FAC] =	sst s2  }
0xb: {  	[smem:$0x3FAD] =	sst s3  }
0xc: {  	[smem:$0x3FAE] =	sst s4  }
0xd: {  	[smem:$0x3FAF] =	sst s5  }
0xe: {  	[smem:$0x3FB0] =	sst s6  }
0xf: {  	[smem:$0x3FB1] =	sst s7  }
0x10: {  	[smem:$0x3FB2] =	sst s8  }
0x11: {  	[smem:$0x3FB3] =	sst s9;
	s0 =	simm.s32 @!p0 $0x0  }
0x12: {  	s1 =	sld [smem:$0x3F99];
	s0 =	simm.s32 @p0 $0x1  }
0x13: {  	[smem:$0x3FB4] =	sst s0;
	s0 =	simm.s32 @!p1 $0x0  }
0x14: {  	s2 =	sld [smem:$0x3F98];
	s0 =	simm.s32 @p1 $0x1  }
0x15: {  	[smem:$0x3FB5] =	sst s0;
	s0 =	simm.s32 @!p2 $0x0  }
0x16: {  	s3 =	sld [smem:$0x3FDB];
	s0 =	simm.s32 @p2 $0x1  }
0x17: {  	s4 =	simm.s32 $0x1BF5;
	[smem:$0x3FB7] =	sst s0  }
0x18: {  	s0 =	sld [smem:$0x3F9A];
	_ =	swait.ge [sflag:s4], $0x0  }
0x19: {  	s7 =	sld [smem:$0x3F9B]  }
0x1a: {  	s8 =	sadd.s32 $0xFFFFE003, lr  }
0x1b: {  	s9 =	sadd.s32 $0xFFFFFEF7, lr;
	s5 =	simm.s32 $0xFFFFFFFF;
	p2 =	slt.u32 s8, $0xFFFFF086  }
0x1c: {  	p1 =	slt.u32 s9, $0xF7A;
	s5 =	simm.s32 @!p2 $0x0  }
0x1d: {  	s5 =	simm.s32 @p1 $0x1;
	p0 =	seq.s32 s7, s2  }
0x1e: {  	s7 =	smul.u32 @!p0 $0xF7A, s2;
	p2 =	seq.s32 @!p0 s5, $0x0  }
0x1f: {  	s9 =	smul.u32 $0xF7A, s1;
	s8 =	simm.s32 @!p0 $0x1BF5;
	p2 =	por !p2, p0  }
0x20: {  	[sflag:s8] =	ssyncset.s32 @!p0 $0xFFFFF086;
	s6 =	sadd.s32 @!p0 s3, s7;
	s7 =	simm.s32 @!p0 $0x108  }
0x21: {  	s3 =	sadd.s32 s3, s9;
	s6 =	sadd.s32 @!p0 $0x88, s6;
	s7 =	simm.s32 @p2 $0x1082  }
0x22: {  	[simem:s7], [sflag:s8] =	dma.local @!p0 [hbm:s6], $0xF7A  }
0x23: {  	s9 =	sor.u32 $0xD0000000, s2;
	s6 =	simm.s32 $0x108;
	_ =	swait.ge @!p0 [sflag:s8], $0x0  }
0x24: {  	s3 =	sadd.s32 $0x88, s3;
	s6 =	simm.s32 @!p1 $0x1082;
	[sflag:s4] =	ssyncset.s32 $0xFFFFF086  }
0x25: {  	[simem:s6], [sflag:s4] =	dma.local [hbm:s3], $0xF7A  }
0x26: {  	[smem:$0x3F9B] =	sst s1;
	(tag) =	ssettag s2;
	_ =	strace s9  }
0x27: {  	s1 =	sld [smem:$0x3FAB]  }
0x28: {  	s2 =	sld [smem:$0x3FAC]  }
0x29: {  	s4 =	sld [smem:$0x3FAE]  }
0x2a: {  	p0 =	seq.s32 s5, $0x0;
	s5 =	sld [smem:$0x3FAF]  }
0x2b: {  	s6 =	sld [smem:$0x3FB0]  }
0x2c: {  	s7 =	sld [smem:$0x3FB1]  }
0x2d: {  	s3 =	simm.s32 $0x108;
	s8 =	sld [smem:$0x3FB2]  }
0x2e: {  	s3 =	simm.s32 @!p0 $0x1082;
	s9 =	sld [smem:$0x3FB3]  }
0x2f: {  	lr =	sadd.s32 s0, s3;
	s0 =	sld [smem:$0x3FAA]  }
0x30: {  	s3 =	sld [smem:$0x3FAD]  }
0x31: {  	[smem:$0x3FB6] =	sst s10  }
0x32: {  	s10 =	sld [smem:$0x3FB4];
	_ =	sdelay $0x3  }
0x33: {  	p0 =	seq.s32 s10, $0x1;
	s10 =	sld [smem:$0x3FB6];
	_ =	sdelay $0x3  }
0x34: {  	[smem:$0x3FB6] =	sst s10  }
0x35: {  	s10 =	sld [smem:$0x3FB5];
	_ =	sdelay $0x3  }
0x36: {  	p1 =	seq.s32 s10, $0x1;
	s10 =	sld [smem:$0x3FB6];
	_ =	sdelay $0x3  }
0x37: {  	[smem:$0x3FB6] =	sst s10  }
0x38: {  	s10 =	sld [smem:$0x3FB7]  }
0x39: {  	_ = 	snop;
	(pc) =	sbr.ind lr, $3  }
0x3a: {  	_ = 	snop  }
0x3b: {  	_ = 	snop  }
0x3c: {  	p2 =	seq.s32 s10, $0x1;
	s10 =	sld [smem:$0x3FB6]  }
0x3d: {  	_ =	shalt  }
0x3e: {  	_ =	shalt  }
0x3f: {  	_ =	shalt  }
0x40: {  	_ =	shalt  }
0x41: {  	_ =	shalt  }
0x42: {  	_ =	shalt  }
0x43: {  	_ =	shalt  }
0x44: {  	_ =	shalt  }
0x45: {  	_ =	shalt  }
0x46: {  	_ =	shalt  }
0x47: {  	_ =	shalt  }
0x48: {  	_ =	shalt  }
0x49: {  	_ =	shalt  }
0x4a: {  	_ =	shalt  }
0x4b: {  	_ =	shalt  }
0x4c: {  	_ =	shalt  }
0x4d: {  	_ =	shalt  }
0x4e: {  	_ =	shalt  }
0x4f: {  	_ =	shalt  }
0x50: {  	_ =	shalt  }
0x51: {  	_ =	shalt  }
0x52: {  	_ =	shalt  }
0x53: {  	_ =	shalt  }
0x54: {  	_ =	shalt  }
0x55: {  	_ =	shalt  }
0x56: {  	_ =	shalt  }
0x57: {  	_ =	shalt  }
0x58: {  	_ =	shalt  }
0x59: {  	_ =	shalt  }
0x5a: {  	_ =	shalt  }
0x5b: {  	_ =	shalt  }
0x5c: {  	_ =	shalt  }
0x5d: {  	_ =	shalt  }
0x5e: {  	_ =	shalt  }
0x5f: {  	_ =	shalt  }
0x60: {  	_ =	shalt  }
0x61: {  	_ =	shalt  }
0x62: {  	_ =	shalt  }
0x63: {  	_ =	shalt  }
0x64: {  	_ =	shalt  }
0x65: {  	_ =	shalt  }
0x66: {  	_ =	shalt  }
0x67: {  	_ =	shalt  }
0x68: {  	_ =	shalt  }
0x69: {  	_ =	shalt  }
0x6a: {  	_ =	shalt  }
0x6b: {  	_ =	shalt  }
0x6c: {  	_ =	shalt  }
0x6d: {  	_ =	shalt  }
0x6e: {  	_ =	shalt  }
0x6f: {  	_ =	shalt  }
0x70: {  	_ =	shalt  }
0x71: {  	_ =	shalt  }
0x72: {  	_ =	shalt  }
0x73: {  	_ =	shalt  }
0x74: {  	_ =	shalt  }
0x75: {  	_ =	shalt  }
0x76: {  	_ =	shalt  }
0x77: {  	_ =	shalt  }
0x78: {  	_ =	shalt  }
0x79: {  	_ =	shalt  }
0x7a: {  	_ =	shalt  }
0x7b: {  	_ =	shalt  }
0x7c: {  	_ =	shalt  }
0x7d: {  	_ =	shalt  }
0x7e: {  	_ =	shalt  }
0x7f: {  	_ =	shalt  }
0x80: {  	_ =	shalt  }
0x81: {  	_ =	shalt  }
0x82: {  	_ =	shalt  }
0x83: {  	_ =	shalt  }
0x84: {  	_ =	shalt  }
0x85: {  	_ =	shalt  }
0x86: {  	_ =	shalt  }
0x87: {  	_ =	shalt  }
.Lfunc_end0:
.L_simem_size_0:
called_computation.1_lowered:
.L_overlay_start_0:
0x88: {  	s2 =	sld [smem:$0x3FD9]  }
0x89: {  	s3 =	sld [smem:$0x3FFE];
	_ =	sdelay $0x1  }
0x8a: {  	s1 =	srdreg.scid  }
0x8b: {  	s0 =	sand.u32 $0x1, s1  }
0x8c: {  	s14 =	sshll.u32 s0, $0xA;
	s2 =	sadd.s32 s3, s2  }
0x8d: {  	s2 =	sadd.s32 s2, s14  }
0x8e: {  	[smem:$0x3FC2] =	sst s2  }
0x8f: {  	_ = 	snop  }
0x90: {  	s2 =	sld [smem:$0x3FD0];
	_ =	sdelay $0x2  }
0x91: {  	s15 =	simm.s32 $0xA;
	s4 =	simm.s32 $0x10  }
0x92: {  	[smem:s4], [sflag:s15] =	dma.local [hbm:s2], $0x1  }
0x93: {  	_ =	swait.eq [sflag:s15], $0x1  }
0x94: {  	[sflag:s15] =	ssyncset.done $0x0  }
0x95: {  	[sflag:s15] =	ssyncadd.s32 $0xFFFFFFFF  }
0x96: {  	s16 =	sld [smem:$0x10];
	(tm) =	ssettm $0x1  }
0x97: {  	s17 =	sld [smem:$0x3FFB];
	_ =	sdelay $0x3  }
0x98: {  	_ =	strace s17  }
0x99: {  	s3 =	sld [smem:$0x3FFC];
	_ =	sdelay $0x3  }
0x9a: {  	_ =	strace s3  }
0x9b: {  	s3 =	sld [smem:$0x3FFD];
	_ =	sdelay $0x3  }
0x9c: {  	_ =	strace s3  }
0x9d: {  	_ =	strace $0x8FFFFFFF  }
0x9e: {  	s18 =	sld [smem:$0x3FDB];
	_ =	sdelay $0x1  }
0x9f: {  	s19 =	simm.s32 $_scs_section_size  }
0xa0: {  	s5 =	simm.s32 $_size__tile_overlayer_lowered;
	s6 =	simm.s32 $_tile_overlayer_lowered  }
0xa1: {  	s22 =	simm.s32 $0x1BFF;
	s21 =	sshll.u32 s6, $0x1;
	s3 =	sadd.s32 s19, s18  }
0xa2: {  	s7 =	simm.s32 $0x0;
	s20 =	sshll.u32 s5, $0x1;
	s5 =	sadd.s32 s21, s3  }
0xa3: {  	[timem:s7], [sflag:s22] =	dma.local [hbm:s5], s20  }
0xa4: {  	_ =	swait.ge [sflag:s22], s20  }
0xa5: {  	s4 =	ssub.s32 $0x0, s20;
	[sflag:s22] =	ssyncset.done $0x0  }
0xa6: {  	[sflag:s22] =	ssyncadd.s32 s4;
	_ =	sdelay $0x1  }
0xa7: {  	s23 =	simm.s32 $0x1B8B  }
0xa8: {  	_ =	swait.ge [sflag:s23], $0x1  }
0xa9: {  	[sflag:s23] =	ssyncset.done $0x0  }
0xaa: {  	s25 =	simm.s32 $0x1B8E;
	s24 =	sld [smem:$0x3FFE];
	[sflag:s23] =	ssyncadd.s32 $0xFFFFFFFF  }
0xab: {  	s26 =	simm.s32 $execute0_lowered;
	[smem:$0x3FD2] =	sst s25  }
0xac: {  	s5 =	sshll.u32 s26, $0x1;
	_ =	strace $0x80000049;
	[dreg:$0x1] =	wrdreg $0xFFFFFFFF  }
0xad: {  	s28 =	simm.s32 $_size_execute0_lowered;
	s3 =	sadd.s32 s3, s5;
	[dreg:$0x0] =	wrdreg $0x0  }
0xae: {  	s5 =	sshll.u32 s28, $0x1;
	[dreg:$0x2] =	wrdreg s3  }
0xaf: {  	[dreg:$0x3] =	wrdreg s5  }
0xb0: {  	[dreg:$0x4] =	wrdreg $0xC0  }
0xb1: {  	_ =	task [dreg:s7], $0x5FFFF  }
0xb2: {  	[dreg:$0x1] =	wrdreg $0xFFFFFFFF  }
0xb3: {  	[dreg:$0x0] =	wrdreg $0x60  }
0xb4: {  	[dreg:$0x2] =	wrdreg s16  }
0xb5: {  	[dreg:$0x3] =	wrdreg s24  }
0xb6: {  	[dreg:$0x4] =	wrdreg $0x21000  }
0xb7: {  	[dreg:$0x5] =	wrdreg $0x9  }
0xb8: {  	_ =	task.clear_ibuf [dreg:s7], $0x6FFFF;
	_ =	strace $0x90000049  }
0xb9: {  	s29 =	simm.s32 $0x9;
	_ =	strace $0x8000004B  }
0xba: {  	_ =	swait.ge [sflag:s29], $0x1  }
0xbb: {  	[sflag:s29] =	ssyncadd.s32 $0xFFFFFFFF  }
0xbc: {  	_ =	strace $0x9000004B  }
0xbd: {  	_ =	sfence  }
0xbe: {  	s30 =	sld [smem:$0x0];
	_ =	sdelay $0x2  }
0xbf: {  	s31 =	sshll.u32 s1, $0xD;
	s1 =	sshrl.u32 s1, $0x2  }
0xc0: {  	s3 =	sand.u32 $0x4000, s31;
	s1 =	sadd.s32 s1, s30  }
0xc1: {  	s0 =	sor.u32 s3, s0;
	s1 =	sshll.u32 s1, $0x11  }
0xc2: {  	s0 =	sor.u32 s1, s0  }
0xc3: {  	s0 =	sadd.s32 $0x8F2B, s0  }
0xc4: {  	[sflag:s0] =	ssyncadd.remote.s32 $0x1  }
0xc5: {  	_ =	sfence.sel $0xFFFF  }
0xc6: {  	[dreg:$0x0] =	wrdreg $0xFFFFFFFF;
	(pc) =	sbr.abs _section_cstart, $3  }
0xc7: {  	[dreg:$0x1] =	wrdreg $0xFFFFFFFF  }
0xc8: {  	_ =	task.clear_ibuf [dreg:s7], $0x2FFFF;
	_ =	strace $0x9FFFFFFF  }
0xc9: {  	(tm) =	ssettm $0x7FFFFFFF  }
tec
execute0_lowered:
.L_overlay_start_1:
0x0: {  	(tag) =	ssettag $0x1  }
0x1: {  	s0 =	rddreg [dreg:$0x0]  }
0x2: {  	s6 =	rddreg [dreg:$0x1]  }
0x3: {  	s4 =	rddreg [dreg:$0x2]  }
0x4: {  	s1 =	srdreg.scid;
	s3 =	simm.s32 $0x64;
	s2 =	rddreg [dreg:$0x3]  }
0x5: {  	s5 =	simm.s32 $0x0;
	s15 =	simm.s32 $0x100;
	s8 =	sand.u32 $0x1, s1  }
0x6: {  	s16 =	simm.s32 $0x2;
	s1 =	stileid.u32;
	s9 =	smul.u32 $0x140000, s8  }
0x7: {  	s17 =	simm.s32 $0x80;
	s18 =	simm.s32 $0x1;
	s10 =	smul.u32 $0x14000, s1  }
0x8: {  	s20 =	simm.s32 $0x0;
	p0 =	seq.s32 s8, $0x0;
	s11 =	smul.u32 $0x28000, s1  }
0x9: {  	[smem:$0x7FF] =	sst s5;
	s31 =	smul.u32 $0x6400, s8;
	s3 =	simm.s32 @!p0 $0x3A  }
0xa: {  	_ =	strace $0x8000004A;
	s30 =	ssub.s32 $0x2, s8;
	s7 =	smul.u32 s1, s3  }
0xb: {  	s13 =	sshrl.u32 s30, $0x1;
	s29 =	sadd.s32 s10, s9;
	s11 =	sshrl.u32 s11, $0x2  }
0xc: {  	s9 =	ssub.s32 s30, s13;
	s10 =	sshrl.u32 s10, $0x1;
	s7 =	sshll.u32 s7, $0x4  }
0xd: {  	s19 =	sadd.s32 s10, s4;
	s12 =	sadd.s32 s7, s6;
	s7 =	sshrl.u32 s29, $0x4  }
0xe: {  	s8 =	smax.u32 s9, $0x1;
	s19 =	sshrl.u32 s19, $0x3;
	s7 =	sadd.s32 s7, s6  }
0xf: {  	s6 =	sadd.s32 s11, s4;
	s14 =	sadd.s32 s31, s12;
	s7 =	sadd.s32 $0x65600, s7  }
0x10: {  	s9 =	sadd.s32 $0x2000, s6;
	s10 =	sadd.s32 $0x4000, s6;
	s11 =	sadd.s32 $0x6000, s6  }
0x11: {  	v0 =	vimm.bf16 $0.0e+00;
	s12 =	sadd.s32 $0x8000, s6;
	s13 =	sadd.s32 $0x1A00, s14;
	s14 =	sadd.s32 $0xB800, s14  }
.LBB2_1:
0x12: {  	s22 =	simm.s32 $0x100;
	s21 =	simm.s32 $0x0  }
.LBB2_2:
0x13: {  	p0 =	sne.s32 s22, $0x7F00;
	[tilespmem:s21+$0x130] =	vst v0;
	s23 =	smov.u32 s22;
	s22 =	sadd.s32 $0x100, s22  }
.Ltmp0:
0x14: {  	[tilespmem:s21+$0x120] =	vst v0;
	(pc) =	sbr.rel @p0 .LBB2_2-.Ltmp0, $3  }
0x15: {  	[tilespmem:s21+$0x100] =	vst v0  }
0x16: {  	[tilespmem:s21+$0x110] =	vst v0;
	_ =	sdelay $0x1  }
0x17: {  	s21 =	sshra.s32 s23, $0x2  }
0x18: {  	[tilespmem:s21+$0x130] =	vst v0  }
0x19: {  	[tilespmem:s21+$0x120] =	vst v0  }
0x1a: {  	[tilespmem:s21+$0x100] =	vst v0  }
0x1b: {  	[tilespmem:s21+$0x110] =	vst v0  }
0x1c: {  	[spmem:s6] =	stream.linear.scatter [tilespmem:s15], [sflag:$0x2], $0x2000, $0x38;
	[tilespmem:$0xC100] =	vst v63  }
0x1d: {  	_ =	swait.ge [sflag:s16], $0x2000  }
0x1e: {  	[sflag:s16] =	ssyncset.done $0x0  }
0x1f: {  	[sflag:s16] =	ssyncadd.s32 $0xFFFFE000  }
0x20: {  	[spmem:s9] =	stream.linear.scatter [tilespmem:s15], [sflag:$0x2], $0x2000, $0x38;
	[tilespmem:$0xC100] =	vst v63  }
0x21: {  	_ =	swait.ge [sflag:s16], $0x2000  }
0x22: {  	[sflag:s16] =	ssyncset.done $0x0  }
0x23: {  	[sflag:s16] =	ssyncadd.s32 $0xFFFFE000  }
0x24: {  	[spmem:s10] =	stream.linear.scatter [tilespmem:s15], [sflag:$0x2], $0x2000, $0x38;
	[tilespmem:$0xC100] =	vst v63  }
0x25: {  	_ =	swait.ge [sflag:s16], $0x2000  }
0x26: {  	[sflag:s16] =	ssyncset.done $0x0  }
0x27: {  	[sflag:s16] =	ssyncadd.s32 $0xFFFFE000  }
0x28: {  	[spmem:s11] =	stream.linear.scatter [tilespmem:s15], [sflag:$0x2], $0x2000, $0x38;
	[tilespmem:$0xC100] =	vst v63  }
0x29: {  	_ =	swait.ge [sflag:s16], $0x2000  }
0x2a: {  	[sflag:s16] =	ssyncset.done $0x0  }
0x2b: {  	[sflag:s16] =	ssyncadd.s32 $0xFFFFE000  }
0x2c: {  	[spmem:s12] =	stream.linear.scatter [tilespmem:s15], [sflag:$0x2], $0x2000, $0x38;
	[tilespmem:$0xC100] =	vst v63  }
0x2d: {  	_ =	swait.ge [sflag:s16], $0x2000  }
0x2e: {  	[sflag:s16] =	ssyncset.done $0x0  }
0x2f: {  	[sflag:s16] =	ssyncadd.s32 $0xFFFFE000  }
0x30: {  	[bflag:$0x0] =	sbarrier.arrive $0xFFFF  }
0x31: {  	[tilespmem:s5], [sflag:$0x2] =	stream.linear.gather [hbm4b:s14+s5], $0x80, $0x38;
	[tilespmem:$0xC100] =	vst v63  }
0x32: {  	_ =	swait.ge [sflag:s16], $0x80  }
0x33: {  	[sflag:s16] =	ssyncset.done $0x0  }
0x34: {  	[sflag:s16] =	ssyncadd.s32 $0xFFFFFF80  }
0x35: {  	[tilespmem:s17], [sflag:$0x2] =	stream.linear.gather [hbm4b:s13+s5], $0x80, $0x38;
	[tilespmem:$0xC100] =	vst v63  }
0x36: {  	_ =	swait.ge [sflag:s16], $0x80  }
0x37: {  	[sflag:s16] =	ssyncset.done $0x0  }
0x38: {  	[sflag:s16] =	ssyncadd.s32 $0xFFFFFF80  }
0x39: {  	[tilespmem:s15], [sflag:$0x1] =	stream.indirect.gather [hbm4b:s0+s17], $0x40, s5, s17, $0xb8;
	[tilespmem:$0xC100] =	vst v63  }
0x3a: {  	p0 =	sne.s32 s3, $0x1;
	_ =	swait.ge [sflag:s18], $0x2000  }
.Ltmp1:
0x3b: {  	[sflag:s18] =	ssyncset.done $0x0;
	(pc) =	sbr.rel @!p0 .LBB2_5-.Ltmp1, $4  }
0x3c: {  	[sflag:s18] =	ssyncadd.s32 $0xFFFFE000  }
0x3d: {  	[spmem:s4] =	stream.indirect.scatter.add.bf16 [tilespmem:s15], [sflag:$0x2], $0x40, s17, s17, $0xb8;
	[tilespmem:$0xC100] =	vst v63  }
0x3e: {  	s21 =	sadd.s32 $0xFFFFFFFF, s3;
	_ =	swait.ge [sflag:s16], $0x2000  }
0x3f: {  	s22 =	smov.u32 s13;
	s23 =	smov.u32 s14;
	[sflag:s16] =	ssyncset.done $0x0  }
.LBB2_4:
0x40: {  	[sflag:s16] =	ssyncadd.s32 $0xFFFFE000;
	s22 =	sadd.s32 $0x10, s22;
	s23 =	sadd.s32 $0x10, s23  }
0x41: {  	[tilespmem:s5], [sflag:$0x2] =	stream.linear.gather [hbm4b:s23+s5], $0x80, $0x38;
	[tilespmem:$0xC100] =	vst v63  }
0x42: {  	p0 =	sne.s32 s21, $0x1;
	s21 =	sadd.s32 $0xFFFFFFFF, s21;
	_ =	swait.ge [sflag:s16], $0x80  }
0x43: {  	[sflag:s16] =	ssyncset.done $0x0  }
0x44: {  	[sflag:s16] =	ssyncadd.s32 $0xFFFFFF80  }
0x45: {  	[tilespmem:s17], [sflag:$0x2] =	stream.linear.gather [hbm4b:s22+s5], $0x80, $0x38;
	[tilespmem:$0xC100] =	vst v63  }
0x46: {  	_ =	swait.ge [sflag:s16], $0x80  }
0x47: {  	[sflag:s16] =	ssyncset.done $0x0  }
0x48: {  	[sflag:s16] =	ssyncadd.s32 $0xFFFFFF80  }
0x49: {  	[tilespmem:s15], [sflag:$0x1] =	stream.indirect.gather [hbm4b:s0+s17], $0x40, s5, s17, $0xb8;
	[tilespmem:$0xC100] =	vst v63  }
0x4a: {  	_ =	swait.ge [sflag:s18], $0x2000  }
.Ltmp2:
0x4b: {  	[sflag:s18] =	ssyncset.done $0x0;
	(pc) =	sbr.rel @p0 .LBB2_4-.Ltmp2, $4  }
0x4c: {  	[sflag:s18] =	ssyncadd.s32 $0xFFFFE000  }
0x4d: {  	[spmem:s4] =	stream.indirect.scatter.add.bf16 [tilespmem:s15], [sflag:$0x2], $0x40, s17, s17, $0xb8;
	[tilespmem:$0xC100] =	vst v63  }
0x4e: {  	_ =	swait.ge [sflag:s16], $0x2000  }
0x4f: {  	[sflag:s16] =	ssyncset.done $0x0  }
.LBB2_5:
0x50: {  	s20 =	sadd.s32 $0x1, s20  }
0x51: {  	[sflag:s16] =	ssyncadd.s32 $0xFFFFE000;
	s21 =	sshll.u32 s1, $0x6;
	p0 =	sne.s32 s20, s8  }
.Ltmp3:
0x52: {  	[bflag:$0x0] =	sbarrier.arrive $0xFFFF;
	s21 =	sor.u32 $0x1C02, s21;
	(pc) =	sbr.rel @p0 .LBB2_1-.Ltmp3, $4  }
0x53: {  	[hbm:s7], [sflag:s21] =	dma.local [spmem:s19], $0x1400  }
0x54: {  	_ =	swait.ge [sflag:s16], $0x1400  }
0x55: {  	[sflag:s16] =	ssyncset.done $0x0  }
0x56: {  	[sflag:s16] =	ssyncadd.s32 $0xFFFFEC00  }
0x57: {  	_ =	sfence.sel $0x180000  }
0x58: {  	[bflag:$0x0] =	sbarrier.arrive $0xFFFF  }
0x59: {  	p0 =	sne.s32 s1, $0x0;
	_ =	strace $0x9000004A  }
0x5a: {  	s0 =	sadd.s32 @!p0 $0x100000, s2;
	[bflag:$0x2] =	sbarrier.arrive $0xFFFF  }
0x5b: {  	[sflag:s0] =	ssyncadd.tile.s32 @!p0 $0x1;
	_ =	shalt  }
.Lfunc_end2:
_tile_overlayer_lowered:
.L_overlay_start_2:
0x5c: {  	(tag) =	ssettag $0x2  }
0x5d: {  	s0 =	rddreg [dreg:$0x0];
	s2 =	stileid.u32  }
0x5e: {  	s1 =	rddreg [dreg:$0x1];
	p0 =	sne.s32 s2, $0x0  }
0x5f: {  	s3 =	rddreg [dreg:$0x2];
	[bflag:$0x3] =	sbarrier.arrive $0xFFFF;
	s2 =	simm.s32 @!p0 $0x1C02  }
0x60: {  	[timem:s3], [sflag:s2] =	dma.local @!p0 [hbm:s0], s1  }
0x61: {  	s0 =	simm.s32 @!p0 $0x2  }
0x62: {  	_ =	swait.ge @!p0 [sflag:s0], s1  }
0x63: {  	s1 =	ssub.s32 @!p0 $0x0, s1;
	[sflag:s0] =	ssyncset.done @!p0 $0x0  }
0x64: {  	[sflag:s0] =	ssyncadd.s32 @!p0 s1  }
0x65: {  	[bflag:$0x3] =	sbarrier.arrive $0xFFFF  }
0x66: {  	_ =	shalt  }

// kernel: kernel.14.cloned.1.call-start
scs
__scs_entry_jumppad:
0x0: {  	(pc) =	sbr.rel $0x88, $3  }
0x1: {  	(tag) =	ssettag $0x0;
	lr =	simm.s32 $0x1  }
0x2: {  	[smem:$0x3F9B] =	sst lr;
	_ =	strace $0xD0000000  }
0x3: {  	_ = 	snop  }
0x4: {  	_ = 	snop  }
0x5: {  	_ = 	snop  }
0x6: {  	_ = 	snop  }
0x7: {  	_ = 	snop  }
__scs_overlays_trampoline_lowered:
0x8: {  	[smem:$0x3FAA] =	sst s0  }
0x9: {  	[smem:$0x3FAB] =	sst s1  }
0xa: {  	[smem:$0x3FAC] =	sst s2  }
0xb: {  	[smem:$0x3FAD] =	sst s3  }
0xc: {  	[smem:$0x3FAE] =	sst s4  }
0xd: {  	[smem:$0x3FAF] =	sst s5  }
0xe: {  	[smem:$0x3FB0] =	sst s6  }
0xf: {  	[smem:$0x3FB1] =	sst s7  }
0x10: {  	[smem:$0x3FB2] =	sst s8  }
0x11: {  	[smem:$0x3FB3] =	sst s9;
	s0 =	simm.s32 @!p0 $0x0  }
0x12: {  	s1 =	sld [smem:$0x3F99];
	s0 =	simm.s32 @p0 $0x1  }
0x13: {  	[smem:$0x3FB4] =	sst s0;
	s0 =	simm.s32 @!p1 $0x0  }
0x14: {  	s2 =	sld [smem:$0x3F98];
	s0 =	simm.s32 @p1 $0x1  }
0x15: {  	[smem:$0x3FB5] =	sst s0;
	s0 =	simm.s32 @!p2 $0x0  }
0x16: {  	s3 =	sld [smem:$0x3FDB];
	s0 =	simm.s32 @p2 $0x1  }
0x17: {  	s4 =	simm.s32 $0x1BF5;
	[smem:$0x3FB7] =	sst s0  }
0x18: {  	s0 =	sld [smem:$0x3F9A];
	_ =	swait.ge [sflag:s4], $0x0  }
0x19: {  	s7 =	sld [smem:$0x3F9B]  }
0x1a: {  	s8 =	sadd.s32 $0xFFFFE003, lr  }
0x1b: {  	s9 =	sadd.s32 $0xFFFFFEF7, lr;
	s5 =	simm.s32 $0xFFFFFFFF;
	p2 =	slt.u32 s8, $0xFFFFF086  }
0x1c: {  	p1 =	slt.u32 s9, $0xF7A;
	s5 =	simm.s32 @!p2 $0x0  }
0x1d: {  	s5 =	simm.s32 @p1 $0x1;
	p0 =	seq.s32 s7, s2  }
0x1e: {  	s7 =	smul.u32 @!p0 $0xF7A, s2;
	p2 =	seq.s32 @!p0 s5, $0x0  }
0x1f: {  	s9 =	smul.u32 $0xF7A, s1;
	s8 =	simm.s32 @!p0 $0x1BF5;
	p2 =	por !p2, p0  }
0x20: {  	[sflag:s8] =	ssyncset.s32 @!p0 $0xFFFFF086;
	s6 =	sadd.s32 @!p0 s3, s7;
	s7 =	simm.s32 @!p0 $0x108  }
0x21: {  	s3 =	sadd.s32 s3, s9;
	s6 =	sadd.s32 @!p0 $0x88, s6;
	s7 =	simm.s32 @p2 $0x1082  }
0x22: {  	[simem:s7], [sflag:s8] =	dma.local @!p0 [hbm:s6], $0xF7A  }
0x23: {  	s9 =	sor.u32 $0xD0000000, s2;
	s6 =	simm.s32 $0x108;
	_ =	swait.ge @!p0 [sflag:s8], $0x0  }
0x24: {  	s3 =	sadd.s32 $0x88, s3;
	s6 =	simm.s32 @!p1 $0x1082;
	[sflag:s4] =	ssyncset.s32 $0xFFFFF086  }
0x25: {  	[simem:s6], [sflag:s4] =	dma.local [hbm:s3], $0xF7A  }
0x26: {  	[smem:$0x3F9B] =	sst s1;
	(tag) =	ssettag s2;
	_ =	strace s9  }
0x27: {  	s1 =	sld [smem:$0x3FAB]  }
0x28: {  	s2 =	sld [smem:$0x3FAC]  }
0x29: {  	s4 =	sld [smem:$0x3FAE]  }
0x2a: {  	p0 =	seq.s32 s5, $0x0;
	s5 =	sld [smem:$0x3FAF]  }
0x2b: {  	s6 =	sld [smem:$0x3FB0]  }
0x2c: {  	s7 =	sld [smem:$0x3FB1]  }
0x2d: {  	s3 =	simm.s32 $0x108;
	s8 =	sld [smem:$0x3FB2]  }
0x2e: {  	s3 =	simm.s32 @!p0 $0x1082;
	s9 =	sld [smem:$0x3FB3]  }
0x2f: {  	lr =	sadd.s32 s0, s3;
	s0 =	sld [smem:$0x3FAA]  }
0x30: {  	s3 =	sld [smem:$0x3FAD]  }
0x31: {  	[smem:$0x3FB6] =	sst s10  }
0x32: {  	s10 =	sld [smem:$0x3FB4];
	_ =	sdelay $0x3  }
0x33: {  	p0 =	seq.s32 s10, $0x1;
	s10 =	sld [smem:$0x3FB6];
	_ =	sdelay $0x3  }
0x34: {  	[smem:$0x3FB6] =	sst s10  }
0x35: {  	s10 =	sld [smem:$0x3FB5];
	_ =	sdelay $0x3  }
0x36: {  	p1 =	seq.s32 s10, $0x1;
	s10 =	sld [smem:$0x3FB6];
	_ =	sdelay $0x3  }
0x37: {  	[smem:$0x3FB6] =	sst s10  }
0x38: {  	s10 =	sld [smem:$0x3FB7]  }
0x39: {  	_ = 	snop;
	(pc) =	sbr.ind lr, $3  }
0x3a: {  	_ = 	snop  }
0x3b: {  	_ = 	snop  }
0x3c: {  	p2 =	seq.s32 s10, $0x1;
	s10 =	sld [smem:$0x3FB6]  }
0x3d: {  	_ =	shalt  }
0x3e: {  	_ =	shalt  }
0x3f: {  	_ =	shalt  }
0x40: {  	_ =	shalt  }
0x41: {  	_ =	shalt  }
0x42: {  	_ =	shalt  }
0x43: {  	_ =	shalt  }
0x44: {  	_ =	shalt  }
0x45: {  	_ =	shalt  }
0x46: {  	_ =	shalt  }
0x47: {  	_ =	shalt  }
0x48: {  	_ =	shalt  }
0x49: {  	_ =	shalt  }
0x4a: {  	_ =	shalt  }
0x4b: {  	_ =	shalt  }
0x4c: {  	_ =	shalt  }
0x4d: {  	_ =	shalt  }
0x4e: {  	_ =	shalt  }
0x4f: {  	_ =	shalt  }
0x50: {  	_ =	shalt  }
0x51: {  	_ =	shalt  }
0x52: {  	_ =	shalt  }
0x53: {  	_ =	shalt  }
0x54: {  	_ =	shalt  }
0x55: {  	_ =	shalt  }
0x56: {  	_ =	shalt  }
0x57: {  	_ =	shalt  }
0x58: {  	_ =	shalt  }
0x59: {  	_ =	shalt  }
0x5a: {  	_ =	shalt  }
0x5b: {  	_ =	shalt  }
0x5c: {  	_ =	shalt  }
0x5d: {  	_ =	shalt  }
0x5e: {  	_ =	shalt  }
0x5f: {  	_ =	shalt  }
0x60: {  	_ =	shalt  }
0x61: {  	_ =	shalt  }
0x62: {  	_ =	shalt  }
0x63: {  	_ =	shalt  }
0x64: {  	_ =	shalt  }
0x65: {  	_ =	shalt  }
0x66: {  	_ =	shalt  }
0x67: {  	_ =	shalt  }
0x68: {  	_ =	shalt  }
0x69: {  	_ =	shalt  }
0x6a: {  	_ =	shalt  }
0x6b: {  	_ =	shalt  }
0x6c: {  	_ =	shalt  }
0x6d: {  	_ =	shalt  }
0x6e: {  	_ =	shalt  }
0x6f: {  	_ =	shalt  }
0x70: {  	_ =	shalt  }
0x71: {  	_ =	shalt  }
0x72: {  	_ =	shalt  }
0x73: {  	_ =	shalt  }
0x74: {  	_ =	shalt  }
0x75: {  	_ =	shalt  }
0x76: {  	_ =	shalt  }
0x77: {  	_ =	shalt  }
0x78: {  	_ =	shalt  }
0x79: {  	_ =	shalt  }
0x7a: {  	_ =	shalt  }
0x7b: {  	_ =	shalt  }
0x7c: {  	_ =	shalt  }
0x7d: {  	_ =	shalt  }
0x7e: {  	_ =	shalt  }
0x7f: {  	_ =	shalt  }
0x80: {  	_ =	shalt  }
0x81: {  	_ =	shalt  }
0x82: {  	_ =	shalt  }
0x83: {  	_ =	shalt  }
0x84: {  	_ =	shalt  }
0x85: {  	_ =	shalt  }
0x86: {  	_ =	shalt  }
0x87: {  	_ =	shalt  }
.Lfunc_end0:
.L_simem_size_0:
called_computation.2_lowered:
.L_overlay_start_0:
0x88: {  	s2 =	sld [smem:$0x3FD9]  }
0x89: {  	s3 =	sld [smem:$0x3FFE];
	_ =	sdelay $0x1  }
0x8a: {  	s1 =	srdreg.scid  }
0x8b: {  	s0 =	sand.u32 $0x1, s1  }
0x8c: {  	s14 =	sshll.u32 s0, $0xA;
	s2 =	sadd.s32 s3, s2  }
0x8d: {  	s2 =	sadd.s32 s2, s14  }
0x8e: {  	[smem:$0x3FC2] =	sst s2  }
0x8f: {  	_ = 	snop  }
0x90: {  	s2 =	sld [smem:$0x3FD0];
	_ =	sdelay $0x2  }
0x91: {  	s15 =	simm.s32 $0xA;
	s4 =	simm.s32 $0x10  }
0x92: {  	[smem:s4], [sflag:s15] =	dma.local [hbm:s2], $0x1  }
0x93: {  	_ =	swait.eq [sflag:s15], $0x1  }
0x94: {  	[sflag:s15] =	ssyncset.done $0x0  }
0x95: {  	[sflag:s15] =	ssyncadd.s32 $0xFFFFFFFF  }
0x96: {  	s16 =	sld [smem:$0x10];
	(tm) =	ssettm $0x1  }
0x97: {  	s17 =	sld [smem:$0x3FFB];
	_ =	sdelay $0x3  }
0x98: {  	_ =	strace s17  }
0x99: {  	s3 =	sld [smem:$0x3FFC];
	_ =	sdelay $0x3  }
0x9a: {  	_ =	strace s3  }
0x9b: {  	s3 =	sld [smem:$0x3FFD];
	_ =	sdelay $0x3  }
0x9c: {  	_ =	strace s3  }
0x9d: {  	_ =	strace $0x8FFFFFFF  }
0x9e: {  	s18 =	sld [smem:$0x3FDB];
	_ =	sdelay $0x1  }
0x9f: {  	s19 =	simm.s32 $_scs_section_size  }
0xa0: {  	s5 =	simm.s32 $_size__tile_overlayer_lowered;
	s6 =	simm.s32 $_tile_overlayer_lowered  }
0xa1: {  	s22 =	simm.s32 $0x1BFF;
	s21 =	sshll.u32 s6, $0x1;
	s3 =	sadd.s32 s19, s18  }
0xa2: {  	s7 =	simm.s32 $0x0;
	s20 =	sshll.u32 s5, $0x1;
	s5 =	sadd.s32 s21, s3  }
0xa3: {  	[timem:s7], [sflag:s22] =	dma.local [hbm:s5], s20  }
0xa4: {  	_ =	swait.ge [sflag:s22], s20  }
0xa5: {  	s4 =	ssub.s32 $0x0, s20;
	[sflag:s22] =	ssyncset.done $0x0  }
0xa6: {  	[sflag:s22] =	ssyncadd.s32 s4;
	_ =	sdelay $0x1  }
0xa7: {  	s23 =	simm.s32 $0x1B8B  }
0xa8: {  	_ =	swait.ge [sflag:s23], $0x1  }
0xa9: {  	[sflag:s23] =	ssyncset.done $0x0  }
0xaa: {  	s25 =	simm.s32 $0x1B8E;
	s24 =	sld [smem:$0x3FFE];
	[sflag:s23] =	ssyncadd.s32 $0xFFFFFFFF  }
0xab: {  	s26 =	simm.s32 $execute0_lowered;
	[smem:$0x3FD2] =	sst s25  }
0xac: {  	s5 =	sshll.u32 s26, $0x1;
	_ =	strace $0x8000004C;
	[dreg:$0x1] =	wrdreg $0xFFFFFFFF  }
0xad: {  	s28 =	simm.s32 $_size_execute0_lowered;
	s3 =	sadd.s32 s3, s5;
	[dreg:$0x0] =	wrdreg $0x0  }
0xae: {  	s5 =	sshll.u32 s28, $0x1;
	[dreg:$0x2] =	wrdreg s3  }
0xaf: {  	[dreg:$0x3] =	wrdreg s5  }
0xb0: {  	[dreg:$0x4] =	wrdreg $0xC0  }
0xb1: {  	_ =	task [dreg:s7], $0x5FFFF  }
0xb2: {  	[dreg:$0x1] =	wrdreg $0xFFFFFFFF  }
0xb3: {  	[dreg:$0x0] =	wrdreg $0x60  }
0xb4: {  	[dreg:$0x2] =	wrdreg s16  }
0xb5: {  	[dreg:$0x3] =	wrdreg s24  }
0xb6: {  	[dreg:$0x4] =	wrdreg $0x21000  }
0xb7: {  	[dreg:$0x5] =	wrdreg $0x9  }
0xb8: {  	_ =	task.clear_ibuf [dreg:s7], $0x6FFFF;
	_ =	strace $0x9000004C  }
0xb9: {  	s29 =	simm.s32 $0x9;
	_ =	strace $0x8000004E  }
0xba: {  	_ =	swait.ge [sflag:s29], $0x1  }
0xbb: {  	[sflag:s29] =	ssyncadd.s32 $0xFFFFFFFF  }
0xbc: {  	_ =	strace $0x9000004E  }
0xbd: {  	_ =	sfence  }
0xbe: {  	s30 =	sld [smem:$0x0];
	_ =	sdelay $0x2  }
0xbf: {  	s31 =	sshll.u32 s1, $0xD;
	s1 =	sshrl.u32 s1, $0x2  }
0xc0: {  	s3 =	sand.u32 $0x4000, s31;
	s1 =	sadd.s32 s1, s30  }
0xc1: {  	s0 =	sor.u32 s3, s0;
	s1 =	sshll.u32 s1, $0x11  }
0xc2: {  	s0 =	sor.u32 s1, s0  }
0xc3: {  	s0 =	sadd.s32 $0x8F2B, s0  }
0xc4: {  	[sflag:s0] =	ssyncadd.remote.s32 $0x1  }
0xc5: {  	_ =	sfence.sel $0xFFFF  }
0xc6: {  	[dreg:$0x0] =	wrdreg $0xFFFFFFFF;
	(pc) =	sbr.abs _section_cstart, $3  }
0xc7: {  	[dreg:$0x1] =	wrdreg $0xFFFFFFFF  }
0xc8: {  	_ =	task.clear_ibuf [dreg:s7], $0x2FFFF;
	_ =	strace $0x9FFFFFFF  }
0xc9: {  	(tm) =	ssettm $0x7FFFFFFF  }
tec
execute0_lowered:
.L_overlay_start_1:
0x0: {  	(tag) =	ssettag $0x1  }
0x1: {  	s0 =	rddreg [dreg:$0x0]  }
0x2: {  	s6 =	rddreg [dreg:$0x1]  }
0x3: {  	s4 =	rddreg [dreg:$0x2]  }
0x4: {  	s1 =	srdreg.scid;
	s3 =	simm.s32 $0x64;
	s2 =	rddreg [dreg:$0x3]  }
0x5: {  	s5 =	simm.s32 $0x0;
	s15 =	simm.s32 $0x100;
	s8 =	sand.u32 $0x1, s1  }
0x6: {  	s16 =	simm.s32 $0x2;
	s1 =	stileid.u32;
	s9 =	smul.u32 $0x140000, s8  }
0x7: {  	s17 =	simm.s32 $0x80;
	s18 =	simm.s32 $0x1;
	s10 =	smul.u32 $0x14000, s1  }
0x8: {  	s20 =	simm.s32 $0x0;
	p0 =	seq.s32 s8, $0x0;
	s11 =	smul.u32 $0x28000, s1  }
0x9: {  	[smem:$0x7FF] =	sst s5;
	s31 =	smul.u32 $0x6400, s8;
	s3 =	simm.s32 @!p0 $0x3A  }
0xa: {  	_ =	strace $0x8000004D;
	s30 =	ssub.s32 $0x2, s8;
	s7 =	smul.u32 s1, s3  }
0xb: {  	s13 =	sshrl.u32 s30, $0x1;
	s29 =	sadd.s32 s10, s9;
	s11 =	sshrl.u32 s11, $0x2  }
0xc: {  	s9 =	ssub.s32 s30, s13;
	s10 =	sshrl.u32 s10, $0x1;
	s7 =	sshll.u32 s7, $0x4  }
0xd: {  	s19 =	sadd.s32 s10, s4;
	s12 =	sadd.s32 s7, s6;
	s7 =	sshrl.u32 s29, $0x4  }
0xe: {  	s8 =	smax.u32 s9, $0x1;
	s19 =	sshrl.u32 s19, $0x3;
	s7 =	sadd.s32 s7, s6  }
0xf: {  	s6 =	sadd.s32 s11, s4;
	s14 =	sadd.s32 s31, s12;
	s7 =	sadd.s32 $0x79600, s7  }
0x10: {  	s9 =	sadd.s32 $0x2000, s6;
	s10 =	sadd.s32 $0x4000, s6;
	s11 =	sadd.s32 $0x6000, s6  }
0x11: {  	v0 =	vimm.bf16 $0.0e+00;
	s12 =	sadd.s32 $0x8000, s6;
	s13 =	sadd.s32 $0x1A00, s14;
	s14 =	sadd.s32 $0xB800, s14  }
.LBB2_1:
0x12: {  	s22 =	simm.s32 $0x100;
	s21 =	simm.s32 $0x0  }
.LBB2_2:
0x13: {  	p0 =	sne.s32 s22, $0x7F00;
	[tilespmem:s21+$0x130] =	vst v0;
	s23 =	smov.u32 s22;
	s22 =	sadd.s32 $0x100, s22  }
.Ltmp0:
0x14: {  	[tilespmem:s21+$0x120] =	vst v0;
	(pc) =	sbr.rel @p0 .LBB2_2-.Ltmp0, $3  }
0x15: {  	[tilespmem:s21+$0x100] =	vst v0  }
0x16: {  	[tilespmem:s21+$0x110] =	vst v0;
	_ =	sdelay $0x1  }
0x17: {  	s21 =	sshra.s32 s23, $0x2  }
0x18: {  	[tilespmem:s21+$0x130] =	vst v0  }
0x19: {  	[tilespmem:s21+$0x120] =	vst v0  }
0x1a: {  	[tilespmem:s21+$0x100] =	vst v0  }
0x1b: {  	[tilespmem:s21+$0x110] =	vst v0  }
0x1c: {  	[spmem:s6] =	stream.linear.scatter [tilespmem:s15], [sflag:$0x2], $0x2000, $0x38;
	[tilespmem:$0xC100] =	vst v63  }
0x1d: {  	_ =	swait.ge [sflag:s16], $0x2000  }
0x1e: {  	[sflag:s16] =	ssyncset.done $0x0  }
0x1f: {  	[sflag:s16] =	ssyncadd.s32 $0xFFFFE000  }
0x20: {  	[spmem:s9] =	stream.linear.scatter [tilespmem:s15], [sflag:$0x2], $0x2000, $0x38;
	[tilespmem:$0xC100] =	vst v63  }
0x21: {  	_ =	swait.ge [sflag:s16], $0x2000  }
0x22: {  	[sflag:s16] =	ssyncset.done $0x0  }
0x23: {  	[sflag:s16] =	ssyncadd.s32 $0xFFFFE000  }
0x24: {  	[spmem:s10] =	stream.linear.scatter [tilespmem:s15], [sflag:$0x2], $0x2000, $0x38;
	[tilespmem:$0xC100] =	vst v63  }
0x25: {  	_ =	swait.ge [sflag:s16], $0x2000  }
0x26: {  	[sflag:s16] =	ssyncset.done $0x0  }
0x27: {  	[sflag:s16] =	ssyncadd.s32 $0xFFFFE000  }
0x28: {  	[spmem:s11] =	stream.linear.scatter [tilespmem:s15], [sflag:$0x2], $0x2000, $0x38;
	[tilespmem:$0xC100] =	vst v63  }
0x29: {  	_ =	swait.ge [sflag:s16], $0x2000  }
0x2a: {  	[sflag:s16] =	ssyncset.done $0x0  }
0x2b: {  	[sflag:s16] =	ssyncadd.s32 $0xFFFFE000  }
0x2c: {  	[spmem:s12] =	stream.linear.scatter [tilespmem:s15], [sflag:$0x2], $0x2000, $0x38;
	[tilespmem:$0xC100] =	vst v63  }
0x2d: {  	_ =	swait.ge [sflag:s16], $0x2000  }
0x2e: {  	[sflag:s16] =	ssyncset.done $0x0  }
0x2f: {  	[sflag:s16] =	ssyncadd.s32 $0xFFFFE000  }
0x30: {  	[bflag:$0x0] =	sbarrier.arrive $0xFFFF  }
0x31: {  	[tilespmem:s5], [sflag:$0x2] =	stream.linear.gather [hbm4b:s14+s5], $0x80, $0x38;
	[tilespmem:$0xC100] =	vst v63  }
0x32: {  	_ =	swait.ge [sflag:s16], $0x80  }
0x33: {  	[sflag:s16] =	ssyncset.done $0x0  }
0x34: {  	[sflag:s16] =	ssyncadd.s32 $0xFFFFFF80  }
0x35: {  	[tilespmem:s17], [sflag:$0x2] =	stream.linear.gather [hbm4b:s13+s5], $0x80, $0x38;
	[tilespmem:$0xC100] =	vst v63  }
0x36: {  	_ =	swait.ge [sflag:s16], $0x80  }
0x37: {  	[sflag:s16] =	ssyncset.done $0x0  }
0x38: {  	[sflag:s16] =	ssyncadd.s32 $0xFFFFFF80  }
0x39: {  	[tilespmem:s15], [sflag:$0x1] =	stream.indirect.gather [hbm4b:s0+s17], $0x40, s5, s17, $0xb8;
	[tilespmem:$0xC100] =	vst v63  }
0x3a: {  	p0 =	sne.s32 s3, $0x1;
	_ =	swait.ge [sflag:s18], $0x2000  }
.Ltmp1:
0x3b: {  	[sflag:s18] =	ssyncset.done $0x0;
	(pc) =	sbr.rel @!p0 .LBB2_5-.Ltmp1, $4  }
0x3c: {  	[sflag:s18] =	ssyncadd.s32 $0xFFFFE000  }
0x3d: {  	[spmem:s4] =	stream.indirect.scatter.add.bf16 [tilespmem:s15], [sflag:$0x2], $0x40, s17, s17, $0xb8;
	[tilespmem:$0xC100] =	vst v63  }
0x3e: {  	s21 =	sadd.s32 $0xFFFFFFFF, s3;
	_ =	swait.ge [sflag:s16], $0x2000  }
0x3f: {  	s22 =	smov.u32 s13;
	s23 =	smov.u32 s14;
	[sflag:s16] =	ssyncset.done $0x0  }
.LBB2_4:
0x40: {  	[sflag:s16] =	ssyncadd.s32 $0xFFFFE000;
	s22 =	sadd.s32 $0x10, s22;
	s23 =	sadd.s32 $0x10, s23  }
0x41: {  	[tilespmem:s5], [sflag:$0x2] =	stream.linear.gather [hbm4b:s23+s5], $0x80, $0x38;
	[tilespmem:$0xC100] =	vst v63  }
0x42: {  	p0 =	sne.s32 s21, $0x1;
	s21 =	sadd.s32 $0xFFFFFFFF, s21;
	_ =	swait.ge [sflag:s16], $0x80  }
0x43: {  	[sflag:s16] =	ssyncset.done $0x0  }
0x44: {  	[sflag:s16] =	ssyncadd.s32 $0xFFFFFF80  }
0x45: {  	[tilespmem:s17], [sflag:$0x2] =	stream.linear.gather [hbm4b:s22+s5], $0x80, $0x38;
	[tilespmem:$0xC100] =	vst v63  }
0x46: {  	_ =	swait.ge [sflag:s16], $0x80  }
0x47: {  	[sflag:s16] =	ssyncset.done $0x0  }
0x48: {  	[sflag:s16] =	ssyncadd.s32 $0xFFFFFF80  }
0x49: {  	[tilespmem:s15], [sflag:$0x1] =	stream.indirect.gather [hbm4b:s0+s17], $0x40, s5, s17, $0xb8;
	[tilespmem:$0xC100] =	vst v63  }
0x4a: {  	_ =	swait.ge [sflag:s18], $0x2000  }
.Ltmp2:
0x4b: {  	[sflag:s18] =	ssyncset.done $0x0;
	(pc) =	sbr.rel @p0 .LBB2_4-.Ltmp2, $4  }
0x4c: {  	[sflag:s18] =	ssyncadd.s32 $0xFFFFE000  }
0x4d: {  	[spmem:s4] =	stream.indirect.scatter.add.bf16 [tilespmem:s15], [sflag:$0x2], $0x40, s17, s17, $0xb8;
	[tilespmem:$0xC100] =	vst v63  }
0x4e: {  	_ =	swait.ge [sflag:s16], $0x2000  }
0x4f: {  	[sflag:s16] =	ssyncset.done $0x0  }
.LBB2_5:
0x50: {  	s20 =	sadd.s32 $0x1, s20  }
0x51: {  	[sflag:s16] =	ssyncadd.s32 $0xFFFFE000;
	s21 =	sshll.u32 s1, $0x6;
	p0 =	sne.s32 s20, s8  }
.Ltmp3:
0x52: {  	[bflag:$0x0] =	sbarrier.arrive $0xFFFF;
	s21 =	sor.u32 $0x1C02, s21;
	(pc) =	sbr.rel @p0 .LBB2_1-.Ltmp3, $4  }
0x53: {  	[hbm:s7], [sflag:s21] =	dma.local [spmem:s19], $0x1400  }
0x54: {  	_ =	swait.ge [sflag:s16], $0x1400  }
0x55: {  	[sflag:s16] =	ssyncset.done $0x0  }
0x56: {  	[sflag:s16] =	ssyncadd.s32 $0xFFFFEC00  }
0x57: {  	_ =	sfence.sel $0x180000  }
0x58: {  	[bflag:$0x0] =	sbarrier.arrive $0xFFFF  }
0x59: {  	p0 =	sne.s32 s1, $0x0;
	_ =	strace $0x9000004D  }
0x5a: {  	s0 =	sadd.s32 @!p0 $0x100000, s2;
	[bflag:$0x2] =	sbarrier.arrive $0xFFFF  }
0x5b: {  	[sflag:s0] =	ssyncadd.tile.s32 @!p0 $0x1;
	_ =	shalt  }
.Lfunc_end2:
_tile_overlayer_lowered:
.L_overlay_start_2:
0x5c: {  	(tag) =	ssettag $0x2  }
0x5d: {  	s0 =	rddreg [dreg:$0x0];
	s2 =	stileid.u32  }
0x5e: {  	s1 =	rddreg [dreg:$0x1];
	p0 =	sne.s32 s2, $0x0  }
0x5f: {  	s3 =	rddreg [dreg:$0x2];
	[bflag:$0x3] =	sbarrier.arrive $0xFFFF;
	s2 =	simm.s32 @!p0 $0x1C02  }
0x60: {  	[timem:s3], [sflag:s2] =	dma.local @!p0 [hbm:s0], s1  }
0x61: {  	s0 =	simm.s32 @!p0 $0x2  }
0x62: {  	_ =	swait.ge @!p0 [sflag:s0], s1  }
0x63: {  	s1 =	ssub.s32 @!p0 $0x0, s1;
	[sflag:s0] =	ssyncset.done @!p0 $0x0  }
0x64: {  	[sflag:s0] =	ssyncadd.s32 @!p0 s1  }
0x65: {  	[bflag:$0x3] =	sbarrier.arrive $0xFFFF  }
0x66: {  	_ =	shalt  }

// kernel: kernel.8.cloned.1.call-start
scs
__scs_entry_jumppad:
0x0: {  	(pc) =	sbr.rel $0x88, $3  }
0x1: {  	(tag) =	ssettag $0x0;
	lr =	simm.s32 $0x1  }
0x2: {  	[smem:$0x3F9B] =	sst lr;
	_ =	strace $0xD0000000  }
0x3: {  	_ = 	snop  }
0x4: {  	_ = 	snop  }
0x5: {  	_ = 	snop  }
0x6: {  	_ = 	snop  }
0x7: {  	_ = 	snop  }
__scs_overlays_trampoline_lowered:
0x8: {  	[smem:$0x3FAA] =	sst s0  }
0x9: {  	[smem:$0x3FAB] =	sst s1  }
0xa: {  	[smem:$0x3FAC] =	sst s2  }
0xb: {  	[smem:$0x3FAD] =	sst s3  }
0xc: {  	[smem:$0x3FAE] =	sst s4  }
0xd: {  	[smem:$0x3FAF] =	sst s5  }
0xe: {  	[smem:$0x3FB0] =	sst s6  }
0xf: {  	[smem:$0x3FB1] =	sst s7  }
0x10: {  	[smem:$0x3FB2] =	sst s8  }
0x11: {  	[smem:$0x3FB3] =	sst s9;
	s0 =	simm.s32 @!p0 $0x0  }
0x12: {  	s1 =	sld [smem:$0x3F99];
	s0 =	simm.s32 @p0 $0x1  }
0x13: {  	[smem:$0x3FB4] =	sst s0;
	s0 =	simm.s32 @!p1 $0x0  }
0x14: {  	s2 =	sld [smem:$0x3F98];
	s0 =	simm.s32 @p1 $0x1  }
0x15: {  	[smem:$0x3FB5] =	sst s0;
	s0 =	simm.s32 @!p2 $0x0  }
0x16: {  	s3 =	sld [smem:$0x3FDB];
	s0 =	simm.s32 @p2 $0x1  }
0x17: {  	s4 =	simm.s32 $0x1BF5;
	[smem:$0x3FB7] =	sst s0  }
0x18: {  	s0 =	sld [smem:$0x3F9A];
	_ =	swait.ge [sflag:s4], $0x0  }
0x19: {  	s7 =	sld [smem:$0x3F9B]  }
0x1a: {  	s8 =	sadd.s32 $0xFFFFE003, lr  }
0x1b: {  	s9 =	sadd.s32 $0xFFFFFEF7, lr;
	s5 =	simm.s32 $0xFFFFFFFF;
	p2 =	slt.u32 s8, $0xFFFFF086  }
0x1c: {  	p1 =	slt.u32 s9, $0xF7A;
	s5 =	simm.s32 @!p2 $0x0  }
0x1d: {  	s5 =	simm.s32 @p1 $0x1;
	p0 =	seq.s32 s7, s2  }
0x1e: {  	s7 =	smul.u32 @!p0 $0xF7A, s2;
	p2 =	seq.s32 @!p0 s5, $0x0  }
0x1f: {  	s9 =	smul.u32 $0xF7A, s1;
	s8 =	simm.s32 @!p0 $0x1BF5;
	p2 =	por !p2, p0  }
0x20: {  	[sflag:s8] =	ssyncset.s32 @!p0 $0xFFFFF086;
	s6 =	sadd.s32 @!p0 s3, s7;
	s7 =	simm.s32 @!p0 $0x108  }
0x21: {  	s3 =	sadd.s32 s3, s9;
	s6 =	sadd.s32 @!p0 $0x88, s6;
	s7 =	simm.s32 @p2 $0x1082  }
0x22: {  	[simem:s7], [sflag:s8] =	dma.local @!p0 [hbm:s6], $0xF7A  }
0x23: {  	s9 =	sor.u32 $0xD0000000, s2;
	s6 =	simm.s32 $0x108;
	_ =	swait.ge @!p0 [sflag:s8], $0x0  }
0x24: {  	s3 =	sadd.s32 $0x88, s3;
	s6 =	simm.s32 @!p1 $0x1082;
	[sflag:s4] =	ssyncset.s32 $0xFFFFF086  }
0x25: {  	[simem:s6], [sflag:s4] =	dma.local [hbm:s3], $0xF7A  }
0x26: {  	[smem:$0x3F9B] =	sst s1;
	(tag) =	ssettag s2;
	_ =	strace s9  }
0x27: {  	s1 =	sld [smem:$0x3FAB]  }
0x28: {  	s2 =	sld [smem:$0x3FAC]  }
0x29: {  	s4 =	sld [smem:$0x3FAE]  }
0x2a: {  	p0 =	seq.s32 s5, $0x0;
	s5 =	sld [smem:$0x3FAF]  }
0x2b: {  	s6 =	sld [smem:$0x3FB0]  }
0x2c: {  	s7 =	sld [smem:$0x3FB1]  }
0x2d: {  	s3 =	simm.s32 $0x108;
	s8 =	sld [smem:$0x3FB2]  }
0x2e: {  	s3 =	simm.s32 @!p0 $0x1082;
	s9 =	sld [smem:$0x3FB3]  }
0x2f: {  	lr =	sadd.s32 s0, s3;
	s0 =	sld [smem:$0x3FAA]  }
0x30: {  	s3 =	sld [smem:$0x3FAD]  }
0x31: {  	[smem:$0x3FB6] =	sst s10  }
0x32: {  	s10 =	sld [smem:$0x3FB4];
	_ =	sdelay $0x3  }
0x33: {  	p0 =	seq.s32 s10, $0x1;
	s10 =	sld [smem:$0x3FB6];
	_ =	sdelay $0x3  }
0x34: {  	[smem:$0x3FB6] =	sst s10  }
0x35: {  	s10 =	sld [smem:$0x3FB5];
	_ =	sdelay $0x3  }
0x36: {  	p1 =	seq.s32 s10, $0x1;
	s10 =	sld [smem:$0x3FB6];
	_ =	sdelay $0x3  }
0x37: {  	[smem:$0x3FB6] =	sst s10  }
0x38: {  	s10 =	sld [smem:$0x3FB7]  }
0x39: {  	_ = 	snop;
	(pc) =	sbr.ind lr, $3  }
0x3a: {  	_ = 	snop  }
0x3b: {  	_ = 	snop  }
0x3c: {  	p2 =	seq.s32 s10, $0x1;
	s10 =	sld [smem:$0x3FB6]  }
0x3d: {  	_ =	shalt  }
0x3e: {  	_ =	shalt  }
0x3f: {  	_ =	shalt  }
0x40: {  	_ =	shalt  }
0x41: {  	_ =	shalt  }
0x42: {  	_ =	shalt  }
0x43: {  	_ =	shalt  }
0x44: {  	_ =	shalt  }
0x45: {  	_ =	shalt  }
0x46: {  	_ =	shalt  }
0x47: {  	_ =	shalt  }
0x48: {  	_ =	shalt  }
0x49: {  	_ =	shalt  }
0x4a: {  	_ =	shalt  }
0x4b: {  	_ =	shalt  }
0x4c: {  	_ =	shalt  }
0x4d: {  	_ =	shalt  }
0x4e: {  	_ =	shalt  }
0x4f: {  	_ =	shalt  }
0x50: {  	_ =	shalt  }
0x51: {  	_ =	shalt  }
0x52: {  	_ =	shalt  }
0x53: {  	_ =	shalt  }
0x54: {  	_ =	shalt  }
0x55: {  	_ =	shalt  }
0x56: {  	_ =	shalt  }
0x57: {  	_ =	shalt  }
0x58: {  	_ =	shalt  }
0x59: {  	_ =	shalt  }
0x5a: {  	_ =	shalt  }
0x5b: {  	_ =	shalt  }
0x5c: {  	_ =	shalt  }
0x5d: {  	_ =	shalt  }
0x5e: {  	_ =	shalt  }
0x5f: {  	_ =	shalt  }
0x60: {  	_ =	shalt  }
0x61: {  	_ =	shalt  }
0x62: {  	_ =	shalt  }
0x63: {  	_ =	shalt  }
0x64: {  	_ =	shalt  }
0x65: {  	_ =	shalt  }
0x66: {  	_ =	shalt  }
0x67: {  	_ =	shalt  }
0x68: {  	_ =	shalt  }
0x69: {  	_ =	shalt  }
0x6a: {  	_ =	shalt  }
0x6b: {  	_ =	shalt  }
0x6c: {  	_ =	shalt  }
0x6d: {  	_ =	shalt  }
0x6e: {  	_ =	shalt  }
0x6f: {  	_ =	shalt  }
0x70: {  	_ =	shalt  }
0x71: {  	_ =	shalt  }
0x72: {  	_ =	shalt  }
0x73: {  	_ =	shalt  }
0x74: {  	_ =	shalt  }
0x75: {  	_ =	shalt  }
0x76: {  	_ =	shalt  }
0x77: {  	_ =	shalt  }
0x78: {  	_ =	shalt  }
0x79: {  	_ =	shalt  }
0x7a: {  	_ =	shalt  }
0x7b: {  	_ =	shalt  }
0x7c: {  	_ =	shalt  }
0x7d: {  	_ =	shalt  }
0x7e: {  	_ =	shalt  }
0x7f: {  	_ =	shalt  }
0x80: {  	_ =	shalt  }
0x81: {  	_ =	shalt  }
0x82: {  	_ =	shalt  }
0x83: {  	_ =	shalt  }
0x84: {  	_ =	shalt  }
0x85: {  	_ =	shalt  }
0x86: {  	_ =	shalt  }
0x87: {  	_ =	shalt  }
.Lfunc_end0:
.L_simem_size_0:
called_computation_lowered:
.L_overlay_start_0:
0x88: {  	s2 =	sld [smem:$0x3FD9]  }
0x89: {  	s3 =	sld [smem:$0x3FFE];
	_ =	sdelay $0x1  }
0x8a: {  	s1 =	srdreg.scid  }
0x8b: {  	s0 =	sand.u32 $0x1, s1  }
0x8c: {  	s14 =	sshll.u32 s0, $0xA;
	s2 =	sadd.s32 s3, s2  }
0x8d: {  	s2 =	sadd.s32 s2, s14  }
0x8e: {  	[smem:$0x3FC2] =	sst s2  }
0x8f: {  	_ = 	snop  }
0x90: {  	s2 =	sld [smem:$0x3FD0];
	_ =	sdelay $0x2  }
0x91: {  	s15 =	simm.s32 $0xA;
	s4 =	simm.s32 $0x10  }
0x92: {  	[smem:s4], [sflag:s15] =	dma.local [hbm:s2], $0x1  }
0x93: {  	_ =	swait.eq [sflag:s15], $0x1  }
0x94: {  	[sflag:s15] =	ssyncset.done $0x0  }
0x95: {  	[sflag:s15] =	ssyncadd.s32 $0xFFFFFFFF  }
0x96: {  	s16 =	sld [smem:$0x10];
	(tm) =	ssettm $0x1  }
0x97: {  	s17 =	sld [smem:$0x3FFB];
	_ =	sdelay $0x3  }
0x98: {  	_ =	strace s17  }
0x99: {  	s3 =	sld [smem:$0x3FFC];
	_ =	sdelay $0x3  }
0x9a: {  	_ =	strace s3  }
0x9b: {  	s3 =	sld [smem:$0x3FFD];
	_ =	sdelay $0x3  }
0x9c: {  	_ =	strace s3  }
0x9d: {  	_ =	strace $0x8FFFFFFF  }
0x9e: {  	s18 =	sld [smem:$0x3FDB];
	_ =	sdelay $0x1  }
0x9f: {  	s19 =	simm.s32 $_scs_section_size  }
0xa0: {  	s5 =	simm.s32 $_size__tile_overlayer_lowered;
	s6 =	simm.s32 $_tile_overlayer_lowered  }
0xa1: {  	s22 =	simm.s32 $0x1BFF;
	s21 =	sshll.u32 s6, $0x1;
	s3 =	sadd.s32 s19, s18  }
0xa2: {  	s7 =	simm.s32 $0x0;
	s20 =	sshll.u32 s5, $0x1;
	s5 =	sadd.s32 s21, s3  }
0xa3: {  	[timem:s7], [sflag:s22] =	dma.local [hbm:s5], s20  }
0xa4: {  	_ =	swait.ge [sflag:s22], s20  }
0xa5: {  	s4 =	ssub.s32 $0x0, s20;
	[sflag:s22] =	ssyncset.done $0x0  }
0xa6: {  	[sflag:s22] =	ssyncadd.s32 s4;
	_ =	sdelay $0x1  }
0xa7: {  	s23 =	simm.s32 $0x1B8B  }
0xa8: {  	_ =	swait.ge [sflag:s23], $0x1  }
0xa9: {  	[sflag:s23] =	ssyncset.done $0x0  }
0xaa: {  	s25 =	simm.s32 $0x1B8E;
	s24 =	sld [smem:$0x3FFE];
	[sflag:s23] =	ssyncadd.s32 $0xFFFFFFFF  }
0xab: {  	s26 =	simm.s32 $execute0_lowered;
	[smem:$0x3FD2] =	sst s25  }
0xac: {  	s5 =	sshll.u32 s26, $0x1;
	_ =	strace $0x80000046;
	[dreg:$0x1] =	wrdreg $0xFFFFFFFF  }
0xad: {  	s28 =	simm.s32 $_size_execute0_lowered;
	s3 =	sadd.s32 s3, s5;
	[dreg:$0x0] =	wrdreg $0x0  }
0xae: {  	s5 =	sshll.u32 s28, $0x1;
	[dreg:$0x2] =	wrdreg s3  }
0xaf: {  	[dreg:$0x3] =	wrdreg s5  }
0xb0: {  	[dreg:$0x4] =	wrdreg $0xC0  }
0xb1: {  	_ =	task [dreg:s7], $0x5FFFF  }
0xb2: {  	[dreg:$0x1] =	wrdreg $0xFFFFFFFF  }
0xb3: {  	[dreg:$0x0] =	wrdreg $0x60  }
0xb4: {  	[dreg:$0x2] =	wrdreg s24  }
0xb5: {  	[dreg:$0x3] =	wrdreg s16  }
0xb6: {  	[dreg:$0x4] =	wrdreg $0x10800  }
0xb7: {  	[dreg:$0x5] =	wrdreg $0x9  }
0xb8: {  	_ =	task.clear_ibuf [dreg:s7], $0x6FFFF;
	_ =	strace $0x90000046  }
0xb9: {  	s29 =	simm.s32 $0x9;
	_ =	strace $0x80000048  }
0xba: {  	_ =	swait.ge [sflag:s29], $0x1  }
0xbb: {  	[sflag:s29] =	ssyncadd.s32 $0xFFFFFFFF  }
0xbc: {  	_ =	strace $0x90000048  }
0xbd: {  	_ =	sfence  }
0xbe: {  	s30 =	sld [smem:$0x0];
	_ =	sdelay $0x2  }
0xbf: {  	s31 =	sshll.u32 s1, $0xD;
	s1 =	sshrl.u32 s1, $0x2  }
0xc0: {  	s3 =	sand.u32 $0x4000, s31;
	s1 =	sadd.s32 s1, s30  }
0xc1: {  	s0 =	sor.u32 s3, s0;
	s1 =	sshll.u32 s1, $0x11  }
0xc2: {  	s0 =	sor.u32 s1, s0  }
0xc3: {  	s0 =	sadd.s32 $0x8F2B, s0  }
0xc4: {  	[sflag:s0] =	ssyncadd.remote.s32 $0x1  }
0xc5: {  	_ =	sfence.sel $0xFFFF  }
0xc6: {  	[dreg:$0x0] =	wrdreg $0xFFFFFFFF;
	(pc) =	sbr.abs _section_cstart, $3  }
0xc7: {  	[dreg:$0x1] =	wrdreg $0xFFFFFFFF  }
0xc8: {  	_ =	task.clear_ibuf [dreg:s7], $0x2FFFF;
	_ =	strace $0x9FFFFFFF  }
0xc9: {  	(tm) =	ssettm $0x7FFFFFFF  }
tec
execute0_lowered:
.L_overlay_start_1:
0x0: {  	(tag) =	ssettag $0x1  }
0x1: {  	s4 =	rddreg [dreg:$0x0]  }
0x2: {  	s5 =	rddreg [dreg:$0x1];
	s0 =	srdreg.scid  }
0x3: {  	s1 =	rddreg [dreg:$0x2];
	s3 =	simm.s32 $0x0;
	s2 =	stileid.u32  }
0x4: {  	s12 =	simm.s32 $0x880;
	s13 =	simm.s32 $0x1;
	s9 =	smul.u32 $0x2800, s2  }
0x5: {  	s14 =	simm.s32 $0x80;
	s17 =	simm.s32 $0x0;
	s10 =	smul.u32 $0xA000, s2  }
0x6: {  	s6 =	sand.u32 $0x1, s0;
	s0 =	rddreg [dreg:$0x3];
	s31 =	smul.u32 $0x4F0, s2  }
0x7: {  	[smem:$0x7FF] =	sst s3;
	s15 =	sshll.u32 s2, $0x6;
	s7 =	smul.u32 $0x4F00, s6  }
0x8: {  	s8 =	smul.u32 $0x28000, s6;
	_ =	strace $0x80000047;
	s6 =	ssub.s32 $0x2, s6  }
0x9: {  	s15 =	sor.u32 $0x1C01, s15;
	s28 =	sshrl.u32 s6, $0x1;
	s30 =	sshrl.u32 s10, $0x2  }
0xa: {  	s16 =	sadd.s32 s9, s1;
	s11 =	sadd.s32 s7, s4;
	s29 =	sadd.s32 s9, s8  }
0xb: {  	s6 =	ssub.s32 s6, s28;
	s4 =	sadd.s32 s30, s1;
	s16 =	sshrl.u32 s16, $0x3  }
0xc: {  	s7 =	sshrl.u32 s29, $0x3;
	s6 =	smax.u32 s6, $0x1;
	s8 =	sadd.s32 $0x1000, s4  }
0xd: {  	s9 =	sadd.s32 $0x1800, s4;
	s11 =	sadd.s32 s31, s11;
	s10 =	sadd.s32 $0x2000, s4  }
0xe: {  	v0 =	vimm.f32 $1.000000000e+00;
	v1 =	vimm.f32 $0.0e+00;
	s5 =	sadd.s32 s5, s7;
	s7 =	sadd.s32 $0x800, s4;
	s11 =	sadd.s32 $0x1A00, s11  }
.LBB2_1:
0xf: {  	s18 =	simm.s32 $0x0  }
.LBB2_2:
0x10: {  	p0 =	sne.s32 s18, $0x1FC0  }
.Ltmp0:
0x11: {  	_ = 	snop;
	(pc) =	sbr.rel @p0 .LBB2_2-.Ltmp0, $3  }
0x12: {  	_ =	sdelay $0x1  }
0x13: {  	s19 =	sshra.s32 s18, $0x2  }
0x14: {  	s18 =	sadd.s32 $0x40, s18;
	[tilespmem:s19+$0x80] =	vst v0  }
0x15: {  	s18 =	simm.s32 $0x40;
	s19 =	simm.s32 $0x0  }
.LBB2_4:
0x16: {  	p0 =	sne.s32 s18, $0x1FC0;
	[tilespmem:s19+$0x880] =	vst v1;
	s19 =	smov.u32 s18;
	s18 =	sadd.s32 $0x40, s18  }
.Ltmp1:
0x17: {  	(pc) =	sbr.rel @p0 .LBB2_4-.Ltmp1, $2  }
0x18: {  	_ =	sdelay $0x2  }
0x19: {  	s19 =	sshra.s32 s19, $0x2  }
0x1a: {  	[tilespmem:s19+$0x880] =	vst v1  }
0x1b: {  	[spmem:s4] =	stream.linear.scatter [tilespmem:s12], [sflag:$0x1], $0x800, $0x38;
	[tilespmem:$0x3880] =	vst v63  }
0x1c: {  	_ =	swait.ge [sflag:s13], $0x800  }
0x1d: {  	[sflag:s13] =	ssyncset.done $0x0  }
0x1e: {  	[sflag:s13] =	ssyncadd.s32 $0xFFFFF800  }
0x1f: {  	[spmem:s7] =	stream.linear.scatter [tilespmem:s12], [sflag:$0x1], $0x800, $0x38;
	[tilespmem:$0x3880] =	vst v63  }
0x20: {  	_ =	swait.ge [sflag:s13], $0x800  }
0x21: {  	[sflag:s13] =	ssyncset.done $0x0  }
0x22: {  	[sflag:s13] =	ssyncadd.s32 $0xFFFFF800  }
0x23: {  	[spmem:s8] =	stream.linear.scatter [tilespmem:s12], [sflag:$0x1], $0x800, $0x38;
	[tilespmem:$0x3880] =	vst v63  }
0x24: {  	_ =	swait.ge [sflag:s13], $0x800  }
0x25: {  	[sflag:s13] =	ssyncset.done $0x0  }
0x26: {  	[sflag:s13] =	ssyncadd.s32 $0xFFFFF800  }
0x27: {  	[spmem:s9] =	stream.linear.scatter [tilespmem:s12], [sflag:$0x1], $0x800, $0x38;
	[tilespmem:$0x3880] =	vst v63  }
0x28: {  	_ =	swait.ge [sflag:s13], $0x800  }
0x29: {  	[sflag:s13] =	ssyncset.done $0x0  }
0x2a: {  	[sflag:s13] =	ssyncadd.s32 $0xFFFFF800  }
0x2b: {  	[spmem:s10] =	stream.linear.scatter [tilespmem:s12], [sflag:$0x1], $0x800, $0x38;
	[tilespmem:$0x3880] =	vst v63  }
0x2c: {  	_ =	swait.ge [sflag:s13], $0x800  }
0x2d: {  	[sflag:s13] =	ssyncset.done $0x0  }
0x2e: {  	[sflag:s13] =	ssyncadd.s32 $0xFFFFF800  }
0x2f: {  	s18 =	sadd.s32 $0x0, s11;
	[bflag:$0x0] =	sbarrier.arrive $0xFFFF  }
0x30: {  	[tilespmem:s3], [sflag:$0x1] =	stream.linear.gather [hbm4b:s18+s3], $0x80, $0x38;
	[tilespmem:$0x3880] =	vst v63  }
0x31: {  	_ =	swait.ge [sflag:s13], $0x80  }
0x32: {  	[sflag:s13] =	ssyncset.done $0x0  }
0x33: {  	[sflag:s13] =	ssyncadd.s32 $0xFFFFFF80  }
0x34: {  	[spmem:s1] =	stream.indirect.scatter.add.f32 [tilespmem:s14], [sflag:$0x1], $0x10, s3, s14, $0xb8;
	[tilespmem:$0x3880] =	vst v63  }
0x35: {  	_ =	swait.ge [sflag:s13], $0x800  }
0x36: {  	s19 =	simm.s32 $0x20;
	s18 =	simm.s32 $0x10;
	[sflag:s13] =	ssyncset.done $0x0  }
.LBB2_6:
0x37: {  	s20 =	sadd.s32 s18, s11  }
0x38: {  	[sflag:s13] =	ssyncadd.s32 $0xFFFFF800;
	s18 =	smov.u32 s19;
	s21 =	sadd.s32 $0x10, s19  }
0x39: {  	[tilespmem:s3], [sflag:$0x1] =	stream.linear.gather [hbm4b:s20+s3], $0x80, $0x38;
	[tilespmem:$0x3880] =	vst v63  }
0x3a: {  	p0 =	sne.s32 s19, $0x4E0;
	_ =	swait.ge [sflag:s13], $0x80  }
.Ltmp2:
0x3b: {  	[sflag:s13] =	ssyncset.done $0x0;
	(pc) =	sbr.rel @p0 .LBB2_6-.Ltmp2, $4  }
0x3c: {  	[sflag:s13] =	ssyncadd.s32 $0xFFFFFF80  }
0x3d: {  	[spmem:s1] =	stream.indirect.scatter.add.f32 [tilespmem:s14], [sflag:$0x1], $0x10, s3, s14, $0xb8;
	[tilespmem:$0x3880] =	vst v63  }
0x3e: {  	_ =	swait.ge [sflag:s13], $0x800  }
0x3f: {  	s19 =	smov.u32 s21;
	[sflag:s13] =	ssyncset.done $0x0  }
0x40: {  	s18 =	sadd.s32 s18, s11;
	[sflag:s13] =	ssyncadd.s32 $0xFFFFF800  }
0x41: {  	[tilespmem:s3], [sflag:$0x1] =	stream.linear.gather [hbm4b:s18+s3], $0x80, $0x38;
	[tilespmem:$0x3880] =	vst v63  }
0x42: {  	_ =	swait.ge [sflag:s13], $0x80  }
0x43: {  	[sflag:s13] =	ssyncset.done $0x0  }
0x44: {  	[sflag:s13] =	ssyncadd.s32 $0xFFFFFF80  }
0x45: {  	[spmem:s1] =	stream.indirect.scatter.add.f32 [tilespmem:s14], [sflag:$0x1], $0x10, s3, s14, $0xb8;
	[tilespmem:$0x3880] =	vst v63  }
0x46: {  	_ =	swait.ge [sflag:s13], $0x800  }
0x47: {  	s17 =	sadd.s32 $0x1, s17;
	[sflag:s13] =	ssyncset.done $0x0  }
0x48: {  	p0 =	sne.s32 s17, s6;
	[sflag:s13] =	ssyncadd.s32 $0xFFFFF800  }
.Ltmp3:
0x49: {  	[bflag:$0x0] =	sbarrier.arrive $0xFFFF;
	(pc) =	sbr.rel @p0 .LBB2_1-.Ltmp3, $4  }
0x4a: {  	[hbm:s5], [sflag:s15] =	dma.local [spmem:s16], $0x500  }
0x4b: {  	_ =	swait.ge [sflag:s13], $0x500  }
0x4c: {  	[sflag:s13] =	ssyncset.done $0x0  }
0x4d: {  	[sflag:s13] =	ssyncadd.s32 $0xFFFFFB00  }
0x4e: {  	_ =	sfence.sel $0x180000  }
0x4f: {  	[bflag:$0x0] =	sbarrier.arrive $0xFFFF  }
0x50: {  	p0 =	sne.s32 s2, $0x0;
	_ =	strace $0x90000047  }
0x51: {  	s0 =	sadd.s32 @!p0 $0x100000, s0;
	[bflag:$0x2] =	sbarrier.arrive $0xFFFF  }
0x52: {  	[sflag:s0] =	ssyncadd.tile.s32 @!p0 $0x1;
	_ =	shalt  }
.Lfunc_end2:
_tile_overlayer_lowered:
.L_overlay_start_2:
0x53: {  	(tag) =	ssettag $0x2  }
0x54: {  	s0 =	rddreg [dreg:$0x0];
	s2 =	stileid.u32  }
0x55: {  	s1 =	rddreg [dreg:$0x1];
	p0 =	sne.s32 s2, $0x0  }
0x56: {  	s3 =	rddreg [dreg:$0x2];
	[bflag:$0x3] =	sbarrier.arrive $0xFFFF;
	s2 =	simm.s32 @!p0 $0x1C01  }
0x57: {  	[timem:s3], [sflag:s2] =	dma.local @!p0 [hbm:s0], s1  }
0x58: {  	s0 =	simm.s32 @!p0 $0x1  }
0x59: {  	_ =	swait.ge @!p0 [sflag:s0], s1  }
0x5a: {  	s1 =	ssub.s32 @!p0 $0x0, s1;
	[sflag:s0] =	ssyncset.done @!p0 $0x0  }
0x5b: {  	[sflag:s0] =	ssyncadd.s32 @!p0 s1  }
0x5c: {  	[bflag:$0x3] =	sbarrier.arrive $0xFFFF  }
0x5d: {  	_ =	shalt  }

</sc_bundles>
